<compile_context>
chip_gen: v7x
topology: tpu7x:2x2x1
jax: 0.10.2.dev20260603
libtpu: 0.0.44.dev20260713+nightly
codegen_flags: <defaults>
</compile_context>

<pallas_src>
import functools

import jax
import jax.numpy as jnp
from jax import lax
from jax.experimental import pallas as pl
from jax.experimental.pallas import tpu as pltpu
from jax.experimental.pallas import tpu_sc as plsc

N, D, E, DO = 4096, 1024, 8, 256
BN = 512
G = 16
NP = G * BN
NC, NS, L = 2, 16, 16
NW = NC * NS
C = N // NW
QN = 2
QC = C // QN


CB = 512


def _classify_route_body(x_ref, wc_ref, bc_ref, co_ref, pos_ref, meta_ref):
    co = jnp.dot(x_ref[...], wc_ref[...], preferred_element_type=jnp.float32)
    co = co + bc_ref[...]
    co_ref[...] = co

    iota_b = lax.broadcasted_iota(jnp.int32, (N, E), 1)
    mx = jnp.max(co, axis=1, keepdims=True)
    pred = jnp.min(jnp.where(co >= mx, iota_b, E), axis=1)
    onehot = (pred.reshape(N, 1) == iota_b).astype(jnp.int32)

    cum = onehot
    d = 1
    while d < N:
        cum = cum + jnp.concatenate(
            [jnp.zeros((d, E), jnp.int32), cum[: N - d]], axis=0)
        d *= 2
    counts = cum[N - 1 : N, :]
    padded = ((counts + BN - 1) // BN) * BN
    base = jnp.concatenate(
        [jnp.zeros((1, 1), jnp.int32), padded[:, : E - 1]], axis=1)
    d = 1
    while d < E:
        base = base + jnp.concatenate(
            [jnp.zeros((1, d), jnp.int32), base[:, : E - d]], axis=1)
        d *= 2
    end = base + padded

    slot = base + cum - 1
    pos_ref[...] = jnp.sum(onehot * slot, axis=1, keepdims=True)

    gidx = lax.broadcasted_iota(jnp.int32, (NW, E), 0) * BN
    meta_ref[...] = jnp.sum(
        (gidx >= jnp.broadcast_to(end, (NW, E))).astype(jnp.int32),
        axis=1, keepdims=True)


def _classify_route(x, Wc, bc):
    co, pos, meta = pl.pallas_call(
        _classify_route_body,
        out_shape=[
            jax.ShapeDtypeStruct((N, E), jnp.float32),
            jax.ShapeDtypeStruct((N, 1), jnp.int32),
            jax.ShapeDtypeStruct((NW, 1), jnp.int32),
        ],
    )(x, Wc, bc.reshape(1, E))
    return co, pos.reshape(NW, QN, QC), meta.reshape(NW)


@functools.cache
def _sc_kernels():
    mesh = plsc.VectorSubcoreMesh(core_axis_name="c", subcore_axis_name="s")

    @functools.partial(
        pl.kernel,
        out_type=jax.ShapeDtypeStruct((NP, D), jnp.float32),
        mesh=mesh,
        scratch_types=[
            pltpu.VMEM((QN, QC), jnp.int32),
            pltpu.VMEM((QC, D), jnp.float32),
            pltpu.SemaphoreType.DMA,
        ],
    )
    def scatter_x(pos_hbm, x_hbm, xs_hbm, pos_v, xrows, sem):
        wid = lax.axis_index("s") * NC + lax.axis_index("c")
        for q in range(QN):
            pltpu.sync_copy(pos_hbm.at[wid, q], pos_v.at[q])
            pltpu.sync_copy(x_hbm.at[pl.ds(wid * C + q * QC, QC)], xrows)
            pltpu.async_copy(xrows, xs_hbm.at[pos_v.at[q]], sem).wait()

    @functools.partial(
        pl.kernel,
        out_type=jax.ShapeDtypeStruct((N, DO), jnp.float32),
        mesh=mesh,
        scratch_types=[
            pltpu.VMEM((QN, QC), jnp.int32),
            pltpu.VMEM((QC, DO), jnp.float32),
            pltpu.SemaphoreType.DMA,
        ],
    )
    def gather_out(pos_hbm, ys_hbm, out_hbm, pos_v, rows, sem):
        wid = lax.axis_index("s") * NC + lax.axis_index("c")
        for q in range(QN):
            pltpu.sync_copy(pos_hbm.at[wid, q], pos_v.at[q])
            pltpu.async_copy(ys_hbm.at[pos_v.at[q]], rows, sem).wait()
            pltpu.sync_copy(rows, out_hbm.at[pl.ds(wid * C + q * QC, QC)])

    return scatter_x, gather_out


def _group_mm_body(meta_ref, xs_ref, we_ref, be_ref, ys_ref):
    g = pl.program_id(0)

    @pl.when(meta_ref[g] < E)
    def _():
        acc = jnp.dot(xs_ref[...], we_ref[0], preferred_element_type=jnp.float32)
        ys_ref[...] = acc + be_ref[0]


def _group_mm(xs, We, be, meta):
    grid_spec = pltpu.PrefetchScalarGridSpec(
        num_scalar_prefetch=1,
        grid=(G,),
        in_specs=[
            pl.BlockSpec((BN, D), lambda g, m: (g, 0)),
            pl.BlockSpec((1, D, DO), lambda g, m: (jnp.minimum(m[g], E - 1), 0, 0)),
            pl.BlockSpec((1, 1, DO), lambda g, m: (jnp.minimum(m[g], E - 1), 0, 0)),
        ],
        out_specs=pl.BlockSpec((BN, DO), lambda g, m: (g, 0)),
    )
    return pl.pallas_call(
        _group_mm_body,
        grid_spec=grid_spec,
        out_shape=jax.ShapeDtypeStruct((NP, DO), jnp.float32),
    )(meta, xs, We, be.reshape(E, 1, DO))


def kernel(x, Wc, bc, We, be):
    scatter_x, gather_out = _sc_kernels()
    class_out, pos, meta = _classify_route(x, Wc, bc)
    xs = scatter_x(pos, x)
    ys = _group_mm(xs, We, be, meta[:G])
    out = gather_out(pos, ys)
    return (class_out, out)

# --- scband reference (transcript-rebuilt; emitter-appended) ---
"""Pipeline reference for scband-classify-regress-net-4844723110213 (READ-ONLY COPY).

The authoritative reference and input builder live on the scoring server;
editing this copy changes nothing except your own understanding.
"""

import jax, jax.numpy as jnp
import numpy as np

N, D, E, DO = 4096, 1024, 8, 256

def setup_inputs(seed: int = 0) -> dict:
    key = jax.random.key(seed)
    ks = jax.random.split(key, 4)
    x = jax.random.normal(ks[0], (N, D), dtype=jnp.float32)
    Wc = jax.random.normal(ks[1], (D, E), dtype=jnp.float32) * (1.0 / np.sqrt(D))
    bc = jnp.zeros((E,), dtype=jnp.float32)
    We = jax.random.normal(ks[2], (E, D, DO), dtype=jnp.float32) * (1.0 / np.sqrt(D))
    be = jnp.zeros((E, DO), dtype=jnp.float32)
    return {"x": x, "Wc": Wc, "bc": bc, "We": We, "be": be}

def reference(x, Wc, bc, We, be):
    # classifier: logits over E classes
    class_out = x @ Wc + bc                      # [N, E]
    # hard routing: pick expert model per sample via argmax
    preds = jnp.argmax(class_out, axis=1)        # [N] int
    onehot = jax.nn.one_hot(preds, We.shape[0], dtype=x.dtype)  # [N, E]
    # per-expert regression: y_e = x @ We[e] + be[e], then select routed expert's output
    ys = jnp.einsum('nd,edo->eno', x, We) + be[:, None, :]      # [E, N, DO]
    out = jnp.einsum('ne,eno->no', onehot, ys)                  # [N, DO]
    return (class_out, out)

if __name__ == "__main__":
    import jax
    _d = setup_inputs()
    print(jax.jit(kernel)(*tuple(_d.values())))

</pallas_src>

<mosaic_0001>
#map = affine_map<(d0, d1) -> (0, 0, 0)>
#map1 = affine_map<(d0, d1) -> (0, 0)>
module attributes {stable_mosaic.version = 14 : i64} {
  func.func @scatter_x(%arg0: i32, %arg1: i32, %arg2: memref<32x2x64xi32, #tpu.memory_space<hbm>>, %arg3: memref<4096x1024xf32, #tpu.memory_space<hbm>>, %arg4: memref<8192x1024xf32, #tpu.memory_space<hbm>>, %arg5: memref<2x64xi32, #tpu.memory_space<vmem>>, %arg6: memref<64x1024xf32, #tpu.memory_space<vmem>>, %arg7: memref<!tpu.dma_semaphore, #tpu.memory_space<semaphore_mem>>) attributes {dimension_semantics = [#tpu.dimension_semantics<core_parallel>, #tpu.dimension_semantics<subcore_parallel>], iteration_bounds = array<i64: 2, 16>, scalar_prefetch = 0 : i64, scratch_operands = 3 : i64, tpu.core_type = #tpu.core_type<sc_vector_subcore>, window_params = [{transform_indices = #map}, {transform_indices = #map1}, {transform_indices = #map1}]} {
    %mul3A = arith.constant 2 : i32
    %mul3A_0 = arith.muli %arg1, %mul3A : i32
    %add3A = arith.addi %mul3A_0, %arg0 : i32
    %run_scoped3A = arith.constant 0 : i32
    %run_scoped3A_1 = arith.constant 0 : i32
    "tpu.region"() ({
      %run_scoped3A_38 = tpu.sem_alloc : memref<!tpu.dma_semaphore, #tpu.memory_space<semaphore_mem>>
      %dma_start3A_39 = arith.constant 0 : i32
      %dma_start3A_40 = tpu.memref_slice %arg5[%run_scoped3A_1, %dma_start3A_39] : memref<2x64xi32, #tpu.memory_space<vmem>> -> memref<1x64xi32, #tpu.memory_space<vmem>>
      %dma_start3A_41 = tpu.memref_squeeze %dma_start3A_40 : memref<1x64xi32, #tpu.memory_space<vmem>> -> memref<64xi32, #tpu.memory_space<vmem>>
      %dma_start3A_42 = arith.constant 0 : i32
      %dma_start3A_43 = tpu.memref_slice %arg2[%add3A, %run_scoped3A, %dma_start3A_42] : memref<32x2x64xi32, #tpu.memory_space<hbm>> -> memref<1x1x64xi32, #tpu.memory_space<hbm>>
      %dma_start3A_44 = tpu.memref_squeeze %dma_start3A_43 : memref<1x1x64xi32, #tpu.memory_space<hbm>> -> memref<64xi32, #tpu.memory_space<hbm>>
      %dma_start3A_45 = arith.constant 0 : i32
      %dma_start3A_46 = tpu.memref_slice %arg5[%run_scoped3A_1, %dma_start3A_45] : memref<2x64xi32, #tpu.memory_space<vmem>> -> memref<1x64xi32, #tpu.memory_space<vmem>>
      %dma_start3A_47 = tpu.memref_squeeze %dma_start3A_46 : memref<1x64xi32, #tpu.memory_space<vmem>> -> memref<64xi32, #tpu.memory_space<vmem>>
      %dma_start3A_48 = arith.constant 0 : i32
      %dma_start3A_49 = tpu.memref_slice %arg2[%add3A, %run_scoped3A, %dma_start3A_48] : memref<32x2x64xi32, #tpu.memory_space<hbm>> -> memref<1x1x64xi32, #tpu.memory_space<hbm>>
      %dma_start3A_50 = tpu.memref_squeeze %dma_start3A_49 : memref<1x1x64xi32, #tpu.memory_space<hbm>> -> memref<64xi32, #tpu.memory_space<hbm>>
      tpu.enqueue_dma source(%dma_start3A_50 : memref<64xi32, #tpu.memory_space<hbm>>) target(%dma_start3A_47 : memref<64xi32, #tpu.memory_space<vmem>>) target_semaphore(%run_scoped3A_38 : memref<!tpu.dma_semaphore, #tpu.memory_space<semaphore_mem>>)
      %dma_wait3A_51 = arith.constant 0 : i32
      %dma_wait3A_52 = tpu.memref_slice %arg5[%run_scoped3A_1, %dma_wait3A_51] : memref<2x64xi32, #tpu.memory_space<vmem>> -> memref<1x64xi32, #tpu.memory_space<vmem>>
      %dma_wait3A_53 = tpu.memref_squeeze %dma_wait3A_52 : memref<1x64xi32, #tpu.memory_space<vmem>> -> memref<64xi32, #tpu.memory_space<vmem>>
      %dma_wait3A_54 = arith.constant 0 : i32
      %dma_wait3A_55 = tpu.memref_slice %arg2[%add3A, %run_scoped3A, %dma_wait3A_54] : memref<32x2x64xi32, #tpu.memory_space<hbm>> -> memref<1x1x64xi32, #tpu.memory_space<hbm>>
      %dma_wait3A_56 = tpu.memref_squeeze %dma_wait3A_55 : memref<1x1x64xi32, #tpu.memory_space<hbm>> -> memref<64xi32, #tpu.memory_space<hbm>>
      %dma_wait3A_57 = arith.constant 0 : i32
      %dma_wait3A_58 = tpu.memref_slice %arg5[%run_scoped3A_1, %dma_wait3A_57] : memref<2x64xi32, #tpu.memory_space<vmem>> -> memref<1x64xi32, #tpu.memory_space<vmem>>
      %dma_wait3A_59 = tpu.memref_squeeze %dma_wait3A_58 : memref<1x64xi32, #tpu.memory_space<vmem>> -> memref<64xi32, #tpu.memory_space<vmem>>
      %dma_wait3A_60 = arith.constant 0 : i32
      %dma_wait3A_61 = tpu.memref_slice %arg2[%add3A, %run_scoped3A, %dma_wait3A_60] : memref<32x2x64xi32, #tpu.memory_space<hbm>> -> memref<1x1x64xi32, #tpu.memory_space<hbm>>
      %dma_wait3A_62 = tpu.memref_squeeze %dma_wait3A_61 : memref<1x1x64xi32, #tpu.memory_space<hbm>> -> memref<64xi32, #tpu.memory_space<hbm>>
      tpu.wait_dma2 semaphore(%run_scoped3A_38 : memref<!tpu.dma_semaphore, #tpu.memory_space<semaphore_mem>>) src(%dma_wait3A_62 : memref<64xi32, #tpu.memory_space<hbm>>) dst(%dma_wait3A_59 : memref<64xi32, #tpu.memory_space<vmem>>)
      tpu.yield
    }) : () -> ()
    %mul3A_2 = arith.constant 128 : i32
    %mul3A_3 = arith.muli %add3A, %mul3A_2 : i32
    %add3A_4 = arith.constant 0 : i32
    %add3A_5 = arith.addi %mul3A_3, %add3A_4 : i32
    "tpu.region"() ({
      %run_scoped3A_38 = tpu.sem_alloc : memref<!tpu.dma_semaphore, #tpu.memory_space<semaphore_mem>>
      %dma_start3A_39 = arith.constant 0 : i32
      %dma_start3A_40 = tpu.memref_slice %arg3[%add3A_5, %dma_start3A_39] : memref<4096x1024xf32, #tpu.memory_space<hbm>> -> memref<64x1024xf32, #tpu.memory_space<hbm>>
      %dma_start3A_41 = arith.constant 0 : i32
      %dma_start3A_42 = tpu.memref_slice %arg3[%add3A_5, %dma_start3A_41] : memref<4096x1024xf32, #tpu.memory_space<hbm>> -> memref<64x1024xf32, #tpu.memory_space<hbm>>
      tpu.enqueue_dma source(%dma_start3A_42 : memref<64x1024xf32, #tpu.memory_space<hbm>>) target(%arg6 : memref<64x1024xf32, #tpu.memory_space<vmem>>) target_semaphore(%run_scoped3A_38 : memref<!tpu.dma_semaphore, #tpu.memory_space<semaphore_mem>>)
      %dma_wait3A_43 = arith.constant 0 : i32
      %dma_wait3A_44 = tpu.memref_slice %arg3[%add3A_5, %dma_wait3A_43] : memref<4096x1024xf32, #tpu.memory_space<hbm>> -> memref<64x1024xf32, #tpu.memory_space<hbm>>
      %dma_wait3A_45 = arith.constant 0 : i32
      %dma_wait3A_46 = tpu.memref_slice %arg3[%add3A_5, %dma_wait3A_45] : memref<4096x1024xf32, #tpu.memory_space<hbm>> -> memref<64x1024xf32, #tpu.memory_space<hbm>>
      tpu.wait_dma2 semaphore(%run_scoped3A_38 : memref<!tpu.dma_semaphore, #tpu.memory_space<semaphore_mem>>) src(%dma_wait3A_46 : memref<64x1024xf32, #tpu.memory_space<hbm>>) dst(%arg6 : memref<64x1024xf32, #tpu.memory_space<vmem>>)
      tpu.yield
    }) : () -> ()
    %dma_start3A = arith.constant 0 : i32
    %dma_start3A_6 = arith.constant 0 : i32
    %dma_start3A_7 = tpu.memref_slice %arg5[%dma_start3A, %dma_start3A_6] : memref<2x64xi32, #tpu.memory_space<vmem>> -> memref<1x64xi32, #tpu.memory_space<vmem>>
    %dma_start3A_8 = tpu.memref_squeeze %dma_start3A_7 : memref<1x64xi32, #tpu.memory_space<vmem>> -> memref<64xi32, #tpu.memory_space<vmem>>
    %dma_start3A_9 = arith.constant 0 : i32
    %dma_start3A_10 = arith.constant 0 : i32
    %dma_start3A_11 = tpu.memref_slice %arg4[%dma_start3A_9, %dma_start3A_10] : memref<8192x1024xf32, #tpu.memory_space<hbm>> -> memref<8192x1024xf32, #tpu.memory_space<hbm>>
    tpu.enqueue_indirect_dma source(%arg6 : memref<64x1024xf32, #tpu.memory_space<vmem>>) target(%dma_start3A_11 : memref<8192x1024xf32, #tpu.memory_space<hbm>>) offsets(%dma_start3A_8 : memref<64xi32, #tpu.memory_space<vmem>>) semaphore(%arg7 : memref<!tpu.dma_semaphore, #tpu.memory_space<semaphore_mem>>)
    %dma_wait3A = arith.constant 0 : i32
    %dma_wait3A_12 = arith.constant 0 : i32
    %dma_wait3A_13 = tpu.memref_slice %arg5[%dma_wait3A, %dma_wait3A_12] : memref<2x64xi32, #tpu.memory_space<vmem>> -> memref<1x64xi32, #tpu.memory_space<vmem>>
    %dma_wait3A_14 = tpu.memref_squeeze %dma_wait3A_13 : memref<1x64xi32, #tpu.memory_space<vmem>> -> memref<64xi32, #tpu.memory_space<vmem>>
    %dma_wait3A_15 = arith.constant 0 : i32
    %dma_wait3A_16 = arith.constant 0 : i32
    %dma_wait3A_17 = tpu.memref_slice %arg4[%dma_wait3A_15, %dma_wait3A_16] : memref<8192x1024xf32, #tpu.memory_space<hbm>> -> memref<8192x1024xf32, #tpu.memory_space<hbm>>
    tpu.wait_indirect_dma semaphore(%arg7 : memref<!tpu.dma_semaphore, #tpu.memory_space<semaphore_mem>>) src(%arg6 : memref<64x1024xf32, #tpu.memory_space<vmem>>) dst(%dma_wait3A_17 : memref<8192x1024xf32, #tpu.memory_space<hbm>>)
    %run_scoped3A_18 = arith.constant 1 : i32
    %run_scoped3A_19 = arith.constant 1 : i32
    "tpu.region"() ({
      %run_scoped3A_38 = tpu.sem_alloc : memref<!tpu.dma_semaphore, #tpu.memory_space<semaphore_mem>>
      %dma_start3A_39 = arith.constant 0 : i32
      %dma_start3A_40 = tpu.memref_slice %arg5[%run_scoped3A_19, %dma_start3A_39] : memref<2x64xi32, #tpu.memory_space<vmem>> -> memref<1x64xi32, #tpu.memory_space<vmem>>
      %dma_start3A_41 = tpu.memref_squeeze %dma_start3A_40 : memref<1x64xi32, #tpu.memory_space<vmem>> -> memref<64xi32, #tpu.memory_space<vmem>>
      %dma_start3A_42 = arith.constant 0 : i32
      %dma_start3A_43 = tpu.memref_slice %arg2[%add3A, %run_scoped3A_18, %dma_start3A_42] : memref<32x2x64xi32, #tpu.memory_space<hbm>> -> memref<1x1x64xi32, #tpu.memory_space<hbm>>
      %dma_start3A_44 = tpu.memref_squeeze %dma_start3A_43 : memref<1x1x64xi32, #tpu.memory_space<hbm>> -> memref<64xi32, #tpu.memory_space<hbm>>
      %dma_start3A_45 = arith.constant 0 : i32
      %dma_start3A_46 = tpu.memref_slice %arg5[%run_scoped3A_19, %dma_start3A_45] : memref<2x64xi32, #tpu.memory_space<vmem>> -> memref<1x64xi32, #tpu.memory_space<vmem>>
      %dma_start3A_47 = tpu.memref_squeeze %dma_start3A_46 : memref<1x64xi32, #tpu.memory_space<vmem>> -> memref<64xi32, #tpu.memory_space<vmem>>
      %dma_start3A_48 = arith.constant 0 : i32
      %dma_start3A_49 = tpu.memref_slice %arg2[%add3A, %run_scoped3A_18, %dma_start3A_48] : memref<32x2x64xi32, #tpu.memory_space<hbm>> -> memref<1x1x64xi32, #tpu.memory_space<hbm>>
      %dma_start3A_50 = tpu.memref_squeeze %dma_start3A_49 : memref<1x1x64xi32, #tpu.memory_space<hbm>> -> memref<64xi32, #tpu.memory_space<hbm>>
      tpu.enqueue_dma source(%dma_start3A_50 : memref<64xi32, #tpu.memory_space<hbm>>) target(%dma_start3A_47 : memref<64xi32, #tpu.memory_space<vmem>>) target_semaphore(%run_scoped3A_38 : memref<!tpu.dma_semaphore, #tpu.memory_space<semaphore_mem>>)
      %dma_wait3A_51 = arith.constant 0 : i32
      %dma_wait3A_52 = tpu.memref_slice %arg5[%run_scoped3A_19, %dma_wait3A_51] : memref<2x64xi32, #tpu.memory_space<vmem>> -> memref<1x64xi32, #tpu.memory_space<vmem>>
      %dma_wait3A_53 = tpu.memref_squeeze %dma_wait3A_52 : memref<1x64xi32, #tpu.memory_space<vmem>> -> memref<64xi32, #tpu.memory_space<vmem>>
      %dma_wait3A_54 = arith.constant 0 : i32
      %dma_wait3A_55 = tpu.memref_slice %arg2[%add3A, %run_scoped3A_18, %dma_wait3A_54] : memref<32x2x64xi32, #tpu.memory_space<hbm>> -> memref<1x1x64xi32, #tpu.memory_space<hbm>>
      %dma_wait3A_56 = tpu.memref_squeeze %dma_wait3A_55 : memref<1x1x64xi32, #tpu.memory_space<hbm>> -> memref<64xi32, #tpu.memory_space<hbm>>
      %dma_wait3A_57 = arith.constant 0 : i32
      %dma_wait3A_58 = tpu.memref_slice %arg5[%run_scoped3A_19, %dma_wait3A_57] : memref<2x64xi32, #tpu.memory_space<vmem>> -> memref<1x64xi32, #tpu.memory_space<vmem>>
      %dma_wait3A_59 = tpu.memref_squeeze %dma_wait3A_58 : memref<1x64xi32, #tpu.memory_space<vmem>> -> memref<64xi32, #tpu.memory_space<vmem>>
      %dma_wait3A_60 = arith.constant 0 : i32
      %dma_wait3A_61 = tpu.memref_slice %arg2[%add3A, %run_scoped3A_18, %dma_wait3A_60] : memref<32x2x64xi32, #tpu.memory_space<hbm>> -> memref<1x1x64xi32, #tpu.memory_space<hbm>>
      %dma_wait3A_62 = tpu.memref_squeeze %dma_wait3A_61 : memref<1x1x64xi32, #tpu.memory_space<hbm>> -> memref<64xi32, #tpu.memory_space<hbm>>
      tpu.wait_dma2 semaphore(%run_scoped3A_38 : memref<!tpu.dma_semaphore, #tpu.memory_space<semaphore_mem>>) src(%dma_wait3A_62 : memref<64xi32, #tpu.memory_space<hbm>>) dst(%dma_wait3A_59 : memref<64xi32, #tpu.memory_space<vmem>>)
      tpu.yield
    }) : () -> ()
    %mul3A_20 = arith.constant 128 : i32
    %mul3A_21 = arith.muli %add3A, %mul3A_20 : i32
    %add3A_22 = arith.constant 64 : i32
    %add3A_23 = arith.addi %mul3A_21, %add3A_22 : i32
    "tpu.region"() ({
      %run_scoped3A_38 = tpu.sem_alloc : memref<!tpu.dma_semaphore, #tpu.memory_space<semaphore_mem>>
      %dma_start3A_39 = arith.constant 0 : i32
      %dma_start3A_40 = tpu.memref_slice %arg3[%add3A_23, %dma_start3A_39] : memref<4096x1024xf32, #tpu.memory_space<hbm>> -> memref<64x1024xf32, #tpu.memory_space<hbm>>
      %dma_start3A_41 = arith.constant 0 : i32
      %dma_start3A_42 = tpu.memref_slice %arg3[%add3A_23, %dma_start3A_41] : memref<4096x1024xf32, #tpu.memory_space<hbm>> -> memref<64x1024xf32, #tpu.memory_space<hbm>>
      tpu.enqueue_dma source(%dma_start3A_42 : memref<64x1024xf32, #tpu.memory_space<hbm>>) target(%arg6 : memref<64x1024xf32, #tpu.memory_space<vmem>>) target_semaphore(%run_scoped3A_38 : memref<!tpu.dma_semaphore, #tpu.memory_space<semaphore_mem>>)
      %dma_wait3A_43 = arith.constant 0 : i32
      %dma_wait3A_44 = tpu.memref_slice %arg3[%add3A_23, %dma_wait3A_43] : memref<4096x1024xf32, #tpu.memory_space<hbm>> -> memref<64x1024xf32, #tpu.memory_space<hbm>>
      %dma_wait3A_45 = arith.constant 0 : i32
      %dma_wait3A_46 = tpu.memref_slice %arg3[%add3A_23, %dma_wait3A_45] : memref<4096x1024xf32, #tpu.memory_space<hbm>> -> memref<64x1024xf32, #tpu.memory_space<hbm>>
      tpu.wait_dma2 semaphore(%run_scoped3A_38 : memref<!tpu.dma_semaphore, #tpu.memory_space<semaphore_mem>>) src(%dma_wait3A_46 : memref<64x1024xf32, #tpu.memory_space<hbm>>) dst(%arg6 : memref<64x1024xf32, #tpu.memory_space<vmem>>)
      tpu.yield
    }) : () -> ()
    %dma_start3A_24 = arith.constant 1 : i32
    %dma_start3A_25 = arith.constant 0 : i32
    %dma_start3A_26 = tpu.memref_slice %arg5[%dma_start3A_24, %dma_start3A_25] : memref<2x64xi32, #tpu.memory_space<vmem>> -> memref<1x64xi32, #tpu.memory_space<vmem>>
    %dma_start3A_27 = tpu.memref_squeeze %dma_start3A_26 : memref<1x64xi32, #tpu.memory_space<vmem>> -> memref<64xi32, #tpu.memory_space<vmem>>
    %dma_start3A_28 = arith.constant 0 : i32
    %dma_start3A_29 = arith.constant 0 : i32
    %dma_start3A_30 = tpu.memref_slice %arg4[%dma_start3A_28, %dma_start3A_29] : memref<8192x1024xf32, #tpu.memory_space<hbm>> -> memref<8192x1024xf32, #tpu.memory_space<hbm>>
    tpu.enqueue_indirect_dma source(%arg6 : memref<64x1024xf32, #tpu.memory_space<vmem>>) target(%dma_start3A_30 : memref<8192x1024xf32, #tpu.memory_space<hbm>>) offsets(%dma_start3A_27 : memref<64xi32, #tpu.memory_space<vmem>>) semaphore(%arg7 : memref<!tpu.dma_semaphore, #tpu.memory_space<semaphore_mem>>)
    %dma_wait3A_31 = arith.constant 1 : i32
    %dma_wait3A_32 = arith.constant 0 : i32
    %dma_wait3A_33 = tpu.memref_slice %arg5[%dma_wait3A_31, %dma_wait3A_32] : memref<2x64xi32, #tpu.memory_space<vmem>> -> memref<1x64xi32, #tpu.memory_space<vmem>>
    %dma_wait3A_34 = tpu.memref_squeeze %dma_wait3A_33 : memref<1x64xi32, #tpu.memory_space<vmem>> -> memref<64xi32, #tpu.memory_space<vmem>>
    %dma_wait3A_35 = arith.constant 0 : i32
    %dma_wait3A_36 = arith.constant 0 : i32
    %dma_wait3A_37 = tpu.memref_slice %arg4[%dma_wait3A_35, %dma_wait3A_36] : memref<8192x1024xf32, #tpu.memory_space<hbm>> -> memref<8192x1024xf32, #tpu.memory_space<hbm>>
    tpu.wait_indirect_dma semaphore(%arg7 : memref<!tpu.dma_semaphore, #tpu.memory_space<semaphore_mem>>) src(%arg6 : memref<64x1024xf32, #tpu.memory_space<vmem>>) dst(%dma_wait3A_37 : memref<8192x1024xf32, #tpu.memory_space<hbm>>)
    return
  }
}

#map = affine_map<(d0, d1) -> (0, 0, 0)>
#map1 = affine_map<(d0, d1) -> (0, 0)>
module attributes {stable_mosaic.version = 14 : i64} {
  func.func @gather_out(%arg0: i32, %arg1: i32, %arg2: memref<32x2x64xi32, #tpu.memory_space<hbm>>, %arg3: memref<8192x256xf32, #tpu.memory_space<hbm>>, %arg4: memref<4096x256xf32, #tpu.memory_space<hbm>>, %arg5: memref<2x64xi32, #tpu.memory_space<vmem>>, %arg6: memref<64x256xf32, #tpu.memory_space<vmem>>, %arg7: memref<!tpu.dma_semaphore, #tpu.memory_space<semaphore_mem>>) attributes {dimension_semantics = [#tpu.dimension_semantics<core_parallel>, #tpu.dimension_semantics<subcore_parallel>], iteration_bounds = array<i64: 2, 16>, scalar_prefetch = 0 : i64, scratch_operands = 3 : i64, tpu.core_type = #tpu.core_type<sc_vector_subcore>, window_params = [{transform_indices = #map}, {transform_indices = #map1}, {transform_indices = #map1}]} {
    %mul3A = arith.constant 2 : i32
    %mul3A_0 = arith.muli %arg1, %mul3A : i32
    %add3A = arith.addi %mul3A_0, %arg0 : i32
    %run_scoped3A = arith.constant 0 : i32
    %run_scoped3A_1 = arith.constant 0 : i32
    "tpu.region"() ({
      %run_scoped3A_38 = tpu.sem_alloc : memref<!tpu.dma_semaphore, #tpu.memory_space<semaphore_mem>>
      %dma_start3A_39 = arith.constant 0 : i32
      %dma_start3A_40 = tpu.memref_slice %arg5[%run_scoped3A_1, %dma_start3A_39] : memref<2x64xi32, #tpu.memory_space<vmem>> -> memref<1x64xi32, #tpu.memory_space<vmem>>
      %dma_start3A_41 = tpu.memref_squeeze %dma_start3A_40 : memref<1x64xi32, #tpu.memory_space<vmem>> -> memref<64xi32, #tpu.memory_space<vmem>>
      %dma_start3A_42 = arith.constant 0 : i32
      %dma_start3A_43 = tpu.memref_slice %arg2[%add3A, %run_scoped3A, %dma_start3A_42] : memref<32x2x64xi32, #tpu.memory_space<hbm>> -> memref<1x1x64xi32, #tpu.memory_space<hbm>>
      %dma_start3A_44 = tpu.memref_squeeze %dma_start3A_43 : memref<1x1x64xi32, #tpu.memory_space<hbm>> -> memref<64xi32, #tpu.memory_space<hbm>>
      %dma_start3A_45 = arith.constant 0 : i32
      %dma_start3A_46 = tpu.memref_slice %arg5[%run_scoped3A_1, %dma_start3A_45] : memref<2x64xi32, #tpu.memory_space<vmem>> -> memref<1x64xi32, #tpu.memory_space<vmem>>
      %dma_start3A_47 = tpu.memref_squeeze %dma_start3A_46 : memref<1x64xi32, #tpu.memory_space<vmem>> -> memref<64xi32, #tpu.memory_space<vmem>>
      %dma_start3A_48 = arith.constant 0 : i32
      %dma_start3A_49 = tpu.memref_slice %arg2[%add3A, %run_scoped3A, %dma_start3A_48] : memref<32x2x64xi32, #tpu.memory_space<hbm>> -> memref<1x1x64xi32, #tpu.memory_space<hbm>>
      %dma_start3A_50 = tpu.memref_squeeze %dma_start3A_49 : memref<1x1x64xi32, #tpu.memory_space<hbm>> -> memref<64xi32, #tpu.memory_space<hbm>>
      tpu.enqueue_dma source(%dma_start3A_50 : memref<64xi32, #tpu.memory_space<hbm>>) target(%dma_start3A_47 : memref<64xi32, #tpu.memory_space<vmem>>) target_semaphore(%run_scoped3A_38 : memref<!tpu.dma_semaphore, #tpu.memory_space<semaphore_mem>>)
      %dma_wait3A_51 = arith.constant 0 : i32
      %dma_wait3A_52 = tpu.memref_slice %arg5[%run_scoped3A_1, %dma_wait3A_51] : memref<2x64xi32, #tpu.memory_space<vmem>> -> memref<1x64xi32, #tpu.memory_space<vmem>>
      %dma_wait3A_53 = tpu.memref_squeeze %dma_wait3A_52 : memref<1x64xi32, #tpu.memory_space<vmem>> -> memref<64xi32, #tpu.memory_space<vmem>>
      %dma_wait3A_54 = arith.constant 0 : i32
      %dma_wait3A_55 = tpu.memref_slice %arg2[%add3A, %run_scoped3A, %dma_wait3A_54] : memref<32x2x64xi32, #tpu.memory_space<hbm>> -> memref<1x1x64xi32, #tpu.memory_space<hbm>>
      %dma_wait3A_56 = tpu.memref_squeeze %dma_wait3A_55 : memref<1x1x64xi32, #tpu.memory_space<hbm>> -> memref<64xi32, #tpu.memory_space<hbm>>
      %dma_wait3A_57 = arith.constant 0 : i32
      %dma_wait3A_58 = tpu.memref_slice %arg5[%run_scoped3A_1, %dma_wait3A_57] : memref<2x64xi32, #tpu.memory_space<vmem>> -> memref<1x64xi32, #tpu.memory_space<vmem>>
      %dma_wait3A_59 = tpu.memref_squeeze %dma_wait3A_58 : memref<1x64xi32, #tpu.memory_space<vmem>> -> memref<64xi32, #tpu.memory_space<vmem>>
      %dma_wait3A_60 = arith.constant 0 : i32
      %dma_wait3A_61 = tpu.memref_slice %arg2[%add3A, %run_scoped3A, %dma_wait3A_60] : memref<32x2x64xi32, #tpu.memory_space<hbm>> -> memref<1x1x64xi32, #tpu.memory_space<hbm>>
      %dma_wait3A_62 = tpu.memref_squeeze %dma_wait3A_61 : memref<1x1x64xi32, #tpu.memory_space<hbm>> -> memref<64xi32, #tpu.memory_space<hbm>>
      tpu.wait_dma2 semaphore(%run_scoped3A_38 : memref<!tpu.dma_semaphore, #tpu.memory_space<semaphore_mem>>) src(%dma_wait3A_62 : memref<64xi32, #tpu.memory_space<hbm>>) dst(%dma_wait3A_59 : memref<64xi32, #tpu.memory_space<vmem>>)
      tpu.yield
    }) : () -> ()
    %dma_start3A = arith.constant 0 : i32
    %dma_start3A_2 = arith.constant 0 : i32
    %dma_start3A_3 = tpu.memref_slice %arg5[%dma_start3A, %dma_start3A_2] : memref<2x64xi32, #tpu.memory_space<vmem>> -> memref<1x64xi32, #tpu.memory_space<vmem>>
    %dma_start3A_4 = tpu.memref_squeeze %dma_start3A_3 : memref<1x64xi32, #tpu.memory_space<vmem>> -> memref<64xi32, #tpu.memory_space<vmem>>
    %dma_start3A_5 = arith.constant 0 : i32
    %dma_start3A_6 = arith.constant 0 : i32
    %dma_start3A_7 = tpu.memref_slice %arg3[%dma_start3A_5, %dma_start3A_6] : memref<8192x256xf32, #tpu.memory_space<hbm>> -> memref<8192x256xf32, #tpu.memory_space<hbm>>
    tpu.enqueue_indirect_dma source(%dma_start3A_7 : memref<8192x256xf32, #tpu.memory_space<hbm>>) target(%arg6 : memref<64x256xf32, #tpu.memory_space<vmem>>) offsets(%dma_start3A_4 : memref<64xi32, #tpu.memory_space<vmem>>) semaphore(%arg7 : memref<!tpu.dma_semaphore, #tpu.memory_space<semaphore_mem>>)
    %dma_wait3A = arith.constant 0 : i32
    %dma_wait3A_8 = arith.constant 0 : i32
    %dma_wait3A_9 = tpu.memref_slice %arg5[%dma_wait3A, %dma_wait3A_8] : memref<2x64xi32, #tpu.memory_space<vmem>> -> memref<1x64xi32, #tpu.memory_space<vmem>>
    %dma_wait3A_10 = tpu.memref_squeeze %dma_wait3A_9 : memref<1x64xi32, #tpu.memory_space<vmem>> -> memref<64xi32, #tpu.memory_space<vmem>>
    %dma_wait3A_11 = arith.constant 0 : i32
    %dma_wait3A_12 = arith.constant 0 : i32
    %dma_wait3A_13 = tpu.memref_slice %arg3[%dma_wait3A_11, %dma_wait3A_12] : memref<8192x256xf32, #tpu.memory_space<hbm>> -> memref<8192x256xf32, #tpu.memory_space<hbm>>
    tpu.wait_indirect_dma semaphore(%arg7 : memref<!tpu.dma_semaphore, #tpu.memory_space<semaphore_mem>>) src(%dma_wait3A_13 : memref<8192x256xf32, #tpu.memory_space<hbm>>) dst(%arg6 : memref<64x256xf32, #tpu.memory_space<vmem>>)
    %mul3A_14 = arith.constant 128 : i32
    %mul3A_15 = arith.muli %add3A, %mul3A_14 : i32
    %add3A_16 = arith.constant 0 : i32
    %add3A_17 = arith.addi %mul3A_15, %add3A_16 : i32
    "tpu.region"() ({
      %run_scoped3A_38 = tpu.sem_alloc : memref<!tpu.dma_semaphore, #tpu.memory_space<semaphore_mem>>
      %dma_start3A_39 = arith.constant 0 : i32
      %dma_start3A_40 = tpu.memref_slice %arg4[%add3A_17, %dma_start3A_39] : memref<4096x256xf32, #tpu.memory_space<hbm>> -> memref<64x256xf32, #tpu.memory_space<hbm>>
      %dma_start3A_41 = arith.constant 0 : i32
      %dma_start3A_42 = tpu.memref_slice %arg4[%add3A_17, %dma_start3A_41] : memref<4096x256xf32, #tpu.memory_space<hbm>> -> memref<64x256xf32, #tpu.memory_space<hbm>>
      tpu.enqueue_dma source(%arg6 : memref<64x256xf32, #tpu.memory_space<vmem>>) target(%dma_start3A_42 : memref<64x256xf32, #tpu.memory_space<hbm>>) target_semaphore(%run_scoped3A_38 : memref<!tpu.dma_semaphore, #tpu.memory_space<semaphore_mem>>)
      %dma_wait3A_43 = arith.constant 0 : i32
      %dma_wait3A_44 = tpu.memref_slice %arg4[%add3A_17, %dma_wait3A_43] : memref<4096x256xf32, #tpu.memory_space<hbm>> -> memref<64x256xf32, #tpu.memory_space<hbm>>
      %dma_wait3A_45 = arith.constant 0 : i32
      %dma_wait3A_46 = tpu.memref_slice %arg4[%add3A_17, %dma_wait3A_45] : memref<4096x256xf32, #tpu.memory_space<hbm>> -> memref<64x256xf32, #tpu.memory_space<hbm>>
      tpu.wait_dma2 semaphore(%run_scoped3A_38 : memref<!tpu.dma_semaphore, #tpu.memory_space<semaphore_mem>>) src(%arg6 : memref<64x256xf32, #tpu.memory_space<vmem>>) dst(%dma_wait3A_46 : memref<64x256xf32, #tpu.memory_space<hbm>>)
      tpu.yield
    }) : () -> ()
    %run_scoped3A_18 = arith.constant 1 : i32
    %run_scoped3A_19 = arith.constant 1 : i32
    "tpu.region"() ({
      %run_scoped3A_38 = tpu.sem_alloc : memref<!tpu.dma_semaphore, #tpu.memory_space<semaphore_mem>>
      %dma_start3A_39 = arith.constant 0 : i32
      %dma_start3A_40 = tpu.memref_slice %arg5[%run_scoped3A_19, %dma_start3A_39] : memref<2x64xi32, #tpu.memory_space<vmem>> -> memref<1x64xi32, #tpu.memory_space<vmem>>
      %dma_start3A_41 = tpu.memref_squeeze %dma_start3A_40 : memref<1x64xi32, #tpu.memory_space<vmem>> -> memref<64xi32, #tpu.memory_space<vmem>>
      %dma_start3A_42 = arith.constant 0 : i32
      %dma_start3A_43 = tpu.memref_slice %arg2[%add3A, %run_scoped3A_18, %dma_start3A_42] : memref<32x2x64xi32, #tpu.memory_space<hbm>> -> memref<1x1x64xi32, #tpu.memory_space<hbm>>
      %dma_start3A_44 = tpu.memref_squeeze %dma_start3A_43 : memref<1x1x64xi32, #tpu.memory_space<hbm>> -> memref<64xi32, #tpu.memory_space<hbm>>
      %dma_start3A_45 = arith.constant 0 : i32
      %dma_start3A_46 = tpu.memref_slice %arg5[%run_scoped3A_19, %dma_start3A_45] : memref<2x64xi32, #tpu.memory_space<vmem>> -> memref<1x64xi32, #tpu.memory_space<vmem>>
      %dma_start3A_47 = tpu.memref_squeeze %dma_start3A_46 : memref<1x64xi32, #tpu.memory_space<vmem>> -> memref<64xi32, #tpu.memory_space<vmem>>
      %dma_start3A_48 = arith.constant 0 : i32
      %dma_start3A_49 = tpu.memref_slice %arg2[%add3A, %run_scoped3A_18, %dma_start3A_48] : memref<32x2x64xi32, #tpu.memory_space<hbm>> -> memref<1x1x64xi32, #tpu.memory_space<hbm>>
      %dma_start3A_50 = tpu.memref_squeeze %dma_start3A_49 : memref<1x1x64xi32, #tpu.memory_space<hbm>> -> memref<64xi32, #tpu.memory_space<hbm>>
      tpu.enqueue_dma source(%dma_start3A_50 : memref<64xi32, #tpu.memory_space<hbm>>) target(%dma_start3A_47 : memref<64xi32, #tpu.memory_space<vmem>>) target_semaphore(%run_scoped3A_38 : memref<!tpu.dma_semaphore, #tpu.memory_space<semaphore_mem>>)
      %dma_wait3A_51 = arith.constant 0 : i32
      %dma_wait3A_52 = tpu.memref_slice %arg5[%run_scoped3A_19, %dma_wait3A_51] : memref<2x64xi32, #tpu.memory_space<vmem>> -> memref<1x64xi32, #tpu.memory_space<vmem>>
      %dma_wait3A_53 = tpu.memref_squeeze %dma_wait3A_52 : memref<1x64xi32, #tpu.memory_space<vmem>> -> memref<64xi32, #tpu.memory_space<vmem>>
      %dma_wait3A_54 = arith.constant 0 : i32
      %dma_wait3A_55 = tpu.memref_slice %arg2[%add3A, %run_scoped3A_18, %dma_wait3A_54] : memref<32x2x64xi32, #tpu.memory_space<hbm>> -> memref<1x1x64xi32, #tpu.memory_space<hbm>>
      %dma_wait3A_56 = tpu.memref_squeeze %dma_wait3A_55 : memref<1x1x64xi32, #tpu.memory_space<hbm>> -> memref<64xi32, #tpu.memory_space<hbm>>
      %dma_wait3A_57 = arith.constant 0 : i32
      %dma_wait3A_58 = tpu.memref_slice %arg5[%run_scoped3A_19, %dma_wait3A_57] : memref<2x64xi32, #tpu.memory_space<vmem>> -> memref<1x64xi32, #tpu.memory_space<vmem>>
      %dma_wait3A_59 = tpu.memref_squeeze %dma_wait3A_58 : memref<1x64xi32, #tpu.memory_space<vmem>> -> memref<64xi32, #tpu.memory_space<vmem>>
      %dma_wait3A_60 = arith.constant 0 : i32
      %dma_wait3A_61 = tpu.memref_slice %arg2[%add3A, %run_scoped3A_18, %dma_wait3A_60] : memref<32x2x64xi32, #tpu.memory_space<hbm>> -> memref<1x1x64xi32, #tpu.memory_space<hbm>>
      %dma_wait3A_62 = tpu.memref_squeeze %dma_wait3A_61 : memref<1x1x64xi32, #tpu.memory_space<hbm>> -> memref<64xi32, #tpu.memory_space<hbm>>
      tpu.wait_dma2 semaphore(%run_scoped3A_38 : memref<!tpu.dma_semaphore, #tpu.memory_space<semaphore_mem>>) src(%dma_wait3A_62 : memref<64xi32, #tpu.memory_space<hbm>>) dst(%dma_wait3A_59 : memref<64xi32, #tpu.memory_space<vmem>>)
      tpu.yield
    }) : () -> ()
    %dma_start3A_20 = arith.constant 1 : i32
    %dma_start3A_21 = arith.constant 0 : i32
    %dma_start3A_22 = tpu.memref_slice %arg5[%dma_start3A_20, %dma_start3A_21] : memref<2x64xi32, #tpu.memory_space<vmem>> -> memref<1x64xi32, #tpu.memory_space<vmem>>
    %dma_start3A_23 = tpu.memref_squeeze %dma_start3A_22 : memref<1x64xi32, #tpu.memory_space<vmem>> -> memref<64xi32, #tpu.memory_space<vmem>>
    %dma_start3A_24 = arith.constant 0 : i32
    %dma_start3A_25 = arith.constant 0 : i32
    %dma_start3A_26 = tpu.memref_slice %arg3[%dma_start3A_24, %dma_start3A_25] : memref<8192x256xf32, #tpu.memory_space<hbm>> -> memref<8192x256xf32, #tpu.memory_space<hbm>>
    tpu.enqueue_indirect_dma source(%dma_start3A_26 : memref<8192x256xf32, #tpu.memory_space<hbm>>) target(%arg6 : memref<64x256xf32, #tpu.memory_space<vmem>>) offsets(%dma_start3A_23 : memref<64xi32, #tpu.memory_space<vmem>>) semaphore(%arg7 : memref<!tpu.dma_semaphore, #tpu.memory_space<semaphore_mem>>)
    %dma_wait3A_27 = arith.constant 1 : i32
    %dma_wait3A_28 = arith.constant 0 : i32
    %dma_wait3A_29 = tpu.memref_slice %arg5[%dma_wait3A_27, %dma_wait3A_28] : memref<2x64xi32, #tpu.memory_space<vmem>> -> memref<1x64xi32, #tpu.memory_space<vmem>>
    %dma_wait3A_30 = tpu.memref_squeeze %dma_wait3A_29 : memref<1x64xi32, #tpu.memory_space<vmem>> -> memref<64xi32, #tpu.memory_space<vmem>>
    %dma_wait3A_31 = arith.constant 0 : i32
    %dma_wait3A_32 = arith.constant 0 : i32
    %dma_wait3A_33 = tpu.memref_slice %arg3[%dma_wait3A_31, %dma_wait3A_32] : memref<8192x256xf32, #tpu.memory_space<hbm>> -> memref<8192x256xf32, #tpu.memory_space<hbm>>
    tpu.wait_indirect_dma semaphore(%arg7 : memref<!tpu.dma_semaphore, #tpu.memory_space<semaphore_mem>>) src(%dma_wait3A_33 : memref<8192x256xf32, #tpu.memory_space<hbm>>) dst(%arg6 : memref<64x256xf32, #tpu.memory_space<vmem>>)
    %mul3A_34 = arith.constant 128 : i32
    %mul3A_35 = arith.muli %add3A, %mul3A_34 : i32
    %add3A_36 = arith.constant 64 : i32
    %add3A_37 = arith.addi %mul3A_35, %add3A_36 : i32
    "tpu.region"() ({
      %run_scoped3A_38 = tpu.sem_alloc : memref<!tpu.dma_semaphore, #tpu.memory_space<semaphore_mem>>
      %dma_start3A_39 = arith.constant 0 : i32
      %dma_start3A_40 = tpu.memref_slice %arg4[%add3A_37, %dma_start3A_39] : memref<4096x256xf32, #tpu.memory_space<hbm>> -> memref<64x256xf32, #tpu.memory_space<hbm>>
      %dma_start3A_41 = arith.constant 0 : i32
      %dma_start3A_42 = tpu.memref_slice %arg4[%add3A_37, %dma_start3A_41] : memref<4096x256xf32, #tpu.memory_space<hbm>> -> memref<64x256xf32, #tpu.memory_space<hbm>>
      tpu.enqueue_dma source(%arg6 : memref<64x256xf32, #tpu.memory_space<vmem>>) target(%dma_start3A_42 : memref<64x256xf32, #tpu.memory_space<hbm>>) target_semaphore(%run_scoped3A_38 : memref<!tpu.dma_semaphore, #tpu.memory_space<semaphore_mem>>)
      %dma_wait3A_43 = arith.constant 0 : i32
      %dma_wait3A_44 = tpu.memref_slice %arg4[%add3A_37, %dma_wait3A_43] : memref<4096x256xf32, #tpu.memory_space<hbm>> -> memref<64x256xf32, #tpu.memory_space<hbm>>
      %dma_wait3A_45 = arith.constant 0 : i32
      %dma_wait3A_46 = tpu.memref_slice %arg4[%add3A_37, %dma_wait3A_45] : memref<4096x256xf32, #tpu.memory_space<hbm>> -> memref<64x256xf32, #tpu.memory_space<hbm>>
      tpu.wait_dma2 semaphore(%run_scoped3A_38 : memref<!tpu.dma_semaphore, #tpu.memory_space<semaphore_mem>>) src(%arg6 : memref<64x256xf32, #tpu.memory_space<vmem>>) dst(%dma_wait3A_46 : memref<64x256xf32, #tpu.memory_space<hbm>>)
      tpu.yield
    }) : () -> ()
    return
  }
}

module attributes {stable_mosaic.version = 14 : i64} {
  func.func @_classify_route_body(%arg0: memref<4096x1024xf32, #tpu.memory_space<vmem>>, %arg1: memref<1024x8xf32, #tpu.memory_space<vmem>>, %arg2: memref<1x8xf32, #tpu.memory_space<vmem>>, %arg3: memref<4096x8xf32, #tpu.memory_space<vmem>>, %arg4: memref<4096x1xi32, #tpu.memory_space<vmem>>, %arg5: memref<32x1xi32, #tpu.memory_space<vmem>>) attributes {dimension_semantics = [], scalar_prefetch = 0 : i64, scratch_operands = 0 : i64, tpu.core_type = #tpu.core_type<tc>} {
    %get3A = arith.constant 0 : index
    %get3A_0 = arith.constant 0 : index
    %get3A_1 = vector.load %arg0[%get3A, %get3A_0] : memref<4096x1024xf32, #tpu.memory_space<vmem>>, vector<4096x1024xf32>
    %get3A_2 = arith.constant 0 : index
    %get3A_3 = arith.constant 0 : index
    %get3A_4 = vector.load %arg1[%get3A_2, %get3A_3] : memref<1024x8xf32, #tpu.memory_space<vmem>>, vector<1024x8xf32>
    %dot_general3A = arith.constant dense<0.000000e+00> : vector<4096x8xf32>
    %dot_general3A_5 = tpu.matmul %get3A_1, %get3A_4, %dot_general3A {dimension_numbers = #tpu.dot_dimension_numbers<[1], [0], [0], [1], [0, 0, 1, 1], [], []>, transpose_lhs_hint = false} : vector<4096x1024xf32>, vector<1024x8xf32>, vector<4096x8xf32> -> vector<4096x8xf32>
    %get3A_6 = arith.constant 0 : index
    %get3A_7 = arith.constant 0 : index
    %get3A_8 = vector.load %arg2[%get3A_6, %get3A_7] : memref<1x8xf32, #tpu.memory_space<vmem>>, vector<1x8xf32>
    %add3A = vector.broadcast %get3A_8 : vector<1x8xf32> to vector<4096x8xf32>
    %add3A_9 = arith.addf %dot_general3A_5, %add3A : vector<4096x8xf32>
    %swap3A = arith.constant 0 : index
    %swap3A_10 = arith.constant 0 : index
    %swap3A_11 = vector.load %arg3[%swap3A, %swap3A_10] : memref<4096x8xf32, #tpu.memory_space<vmem>>, vector<4096x8xf32>
    tpu.vector_store %arg3[%swap3A, %swap3A_10], %add3A_9 {strides = array<i32>} : memref<4096x8xf32, #tpu.memory_space<vmem>>, vector<4096x8xf32>,
    %iota3A = tpu.iota {dimensions = array<i32: 1>} : vector<4096x8xi32>
    %reduce_max3A = arith.constant dense<0xFF800000> : vector<4096xf32>
    %reduce_max3A_12 = vector.multi_reduction <maximumf>, %add3A_9, %reduce_max3A [1] : vector<4096x8xf32> to vector<4096xf32>
    %broadcast_in_dim3A = vector.shape_cast %reduce_max3A_12 : vector<4096xf32> to vector<4096x1xf32>
    %ge3A = vector.broadcast %broadcast_in_dim3A : vector<4096x1xf32> to vector<4096x8xf32>
    %ge3A_13 = arith.cmpf oge, %add3A_9, %ge3A : vector<4096x8xf32>
    %jit3A = arith.constant 8 : i32
    %broadcast_in_dim3A_14 = vector.broadcast %jit3A : i32 to vector<4096x8xi32>
    %select_n3A = arith.select %ge3A_13, %iota3A, %broadcast_in_dim3A_14 : vector<4096x8xi1>, vector<4096x8xi32>
    %reduce_min3A = arith.constant dense<2147483647> : vector<4096xi32>
    %reduce_min3A_15 = vector.multi_reduction <minsi>, %select_n3A, %reduce_min3A [1] : vector<4096x8xi32> to vector<4096xi32>
    %reshape3A = vector.shape_cast %reduce_min3A_15 : vector<4096xi32> to vector<4096x1xi32>
    %eq3A = vector.broadcast %reshape3A : vector<4096x1xi32> to vector<4096x8xi32>
    %eq3A_16 = arith.cmpi eq, %eq3A, %iota3A : vector<4096x8xi32>
    %convert_element_type3A = arith.extui %eq3A_16 : vector<4096x8xi1> to vector<4096x8xi32>
    %broadcast_in_dim3A_17 = arith.constant 0 : i32
    %broadcast_in_dim3A_18 = vector.broadcast %broadcast_in_dim3A_17 : i32 to vector<1x8xi32>
    %slice3A = vector.extract_strided_slice %convert_element_type3A {offsets = [0, 0], sizes = [4095, 8], strides = [1, 1]} : vector<4096x8xi32> to vector<4095x8xi32>
    %concatenate3A = tpu.concatenate %broadcast_in_dim3A_18, %slice3A in 0 : vector<1x8xi32>, vector<4095x8xi32> -> vector<4096x8xi32>
    %add3A_19 = arith.addi %convert_element_type3A, %concatenate3A : vector<4096x8xi32>
    %broadcast_in_dim3A_20 = arith.constant 0 : i32
    %broadcast_in_dim3A_21 = vector.broadcast %broadcast_in_dim3A_20 : i32 to vector<2x8xi32>
    %slice3A_22 = vector.extract_strided_slice %add3A_19 {offsets = [0, 0], sizes = [4094, 8], strides = [1, 1]} : vector<4096x8xi32> to vector<4094x8xi32>
    %concatenate3A_23 = tpu.concatenate %broadcast_in_dim3A_21, %slice3A_22 in 0 : vector<2x8xi32>, vector<4094x8xi32> -> vector<4096x8xi32>
    %add3A_24 = arith.addi %add3A_19, %concatenate3A_23 : vector<4096x8xi32>
    %broadcast_in_dim3A_25 = arith.constant 0 : i32
    %broadcast_in_dim3A_26 = vector.broadcast %broadcast_in_dim3A_25 : i32 to vector<4x8xi32>
    %slice3A_27 = vector.extract_strided_slice %add3A_24 {offsets = [0, 0], sizes = [4092, 8], strides = [1, 1]} : vector<4096x8xi32> to vector<4092x8xi32>
    %concatenate3A_28 = tpu.concatenate %broadcast_in_dim3A_26, %slice3A_27 in 0 : vector<4x8xi32>, vector<4092x8xi32> -> vector<4096x8xi32>
    %add3A_29 = arith.addi %add3A_24, %concatenate3A_28 : vector<4096x8xi32>
    %broadcast_in_dim3A_30 = arith.constant 0 : i32
    %broadcast_in_dim3A_31 = vector.broadcast %broadcast_in_dim3A_30 : i32 to vector<8x8xi32>
    %slice3A_32 = vector.extract_strided_slice %add3A_29 {offsets = [0, 0], sizes = [4088, 8], strides = [1, 1]} : vector<4096x8xi32> to vector<4088x8xi32>
    %concatenate3A_33 = tpu.concatenate %broadcast_in_dim3A_31, %slice3A_32 in 0 : vector<8x8xi32>, vector<4088x8xi32> -> vector<4096x8xi32>
    %add3A_34 = arith.addi %add3A_29, %concatenate3A_33 : vector<4096x8xi32>
    %broadcast_in_dim3A_35 = arith.constant 0 : i32
    %broadcast_in_dim3A_36 = vector.broadcast %broadcast_in_dim3A_35 : i32 to vector<16x8xi32>
    %slice3A_37 = vector.extract_strided_slice %add3A_34 {offsets = [0, 0], sizes = [4080, 8], strides = [1, 1]} : vector<4096x8xi32> to vector<4080x8xi32>
    %concatenate3A_38 = tpu.concatenate %broadcast_in_dim3A_36, %slice3A_37 in 0 : vector<16x8xi32>, vector<4080x8xi32> -> vector<4096x8xi32>
    %add3A_39 = arith.addi %add3A_34, %concatenate3A_38 : vector<4096x8xi32>
    %broadcast_in_dim3A_40 = arith.constant 0 : i32
    %broadcast_in_dim3A_41 = vector.broadcast %broadcast_in_dim3A_40 : i32 to vector<32x8xi32>
    %slice3A_42 = vector.extract_strided_slice %add3A_39 {offsets = [0, 0], sizes = [4064, 8], strides = [1, 1]} : vector<4096x8xi32> to vector<4064x8xi32>
    %concatenate3A_43 = tpu.concatenate %broadcast_in_dim3A_41, %slice3A_42 in 0 : vector<32x8xi32>, vector<4064x8xi32> -> vector<4096x8xi32>
    %add3A_44 = arith.addi %add3A_39, %concatenate3A_43 : vector<4096x8xi32>
    %broadcast_in_dim3A_45 = arith.constant 0 : i32
    %broadcast_in_dim3A_46 = vector.broadcast %broadcast_in_dim3A_45 : i32 to vector<64x8xi32>
    %slice3A_47 = vector.extract_strided_slice %add3A_44 {offsets = [0, 0], sizes = [4032, 8], strides = [1, 1]} : vector<4096x8xi32> to vector<4032x8xi32>
    %concatenate3A_48 = tpu.concatenate %broadcast_in_dim3A_46, %slice3A_47 in 0 : vector<64x8xi32>, vector<4032x8xi32> -> vector<4096x8xi32>
    %add3A_49 = arith.addi %add3A_44, %concatenate3A_48 : vector<4096x8xi32>
    %broadcast_in_dim3A_50 = arith.constant 0 : i32
    %broadcast_in_dim3A_51 = vector.broadcast %broadcast_in_dim3A_50 : i32 to vector<128x8xi32>
    %slice3A_52 = vector.extract_strided_slice %add3A_49 {offsets = [0, 0], sizes = [3968, 8], strides = [1, 1]} : vector<4096x8xi32> to vector<3968x8xi32>
    %concatenate3A_53 = tpu.concatenate %broadcast_in_dim3A_51, %slice3A_52 in 0 : vector<128x8xi32>, vector<3968x8xi32> -> vector<4096x8xi32>
    %add3A_54 = arith.addi %add3A_49, %concatenate3A_53 : vector<4096x8xi32>
    %broadcast_in_dim3A_55 = arith.constant 0 : i32
    %broadcast_in_dim3A_56 = vector.broadcast %broadcast_in_dim3A_55 : i32 to vector<256x8xi32>
    %slice3A_57 = vector.extract_strided_slice %add3A_54 {offsets = [0, 0], sizes = [3840, 8], strides = [1, 1]} : vector<4096x8xi32> to vector<3840x8xi32>
    %concatenate3A_58 = tpu.concatenate %broadcast_in_dim3A_56, %slice3A_57 in 0 : vector<256x8xi32>, vector<3840x8xi32> -> vector<4096x8xi32>
    %add3A_59 = arith.addi %add3A_54, %concatenate3A_58 : vector<4096x8xi32>
    %broadcast_in_dim3A_60 = arith.constant 0 : i32
    %broadcast_in_dim3A_61 = vector.broadcast %broadcast_in_dim3A_60 : i32 to vector<512x8xi32>
    %slice3A_62 = vector.extract_strided_slice %add3A_59 {offsets = [0, 0], sizes = [3584, 8], strides = [1, 1]} : vector<4096x8xi32> to vector<3584x8xi32>
    %concatenate3A_63 = tpu.concatenate %broadcast_in_dim3A_61, %slice3A_62 in 0 : vector<512x8xi32>, vector<3584x8xi32> -> vector<4096x8xi32>
    %add3A_64 = arith.addi %add3A_59, %concatenate3A_63 : vector<4096x8xi32>
    %broadcast_in_dim3A_65 = arith.constant 0 : i32
    %broadcast_in_dim3A_66 = vector.broadcast %broadcast_in_dim3A_65 : i32 to vector<1024x8xi32>
    %slice3A_67 = vector.extract_strided_slice %add3A_64 {offsets = [0, 0], sizes = [3072, 8], strides = [1, 1]} : vector<4096x8xi32> to vector<3072x8xi32>
    %concatenate3A_68 = tpu.concatenate %broadcast_in_dim3A_66, %slice3A_67 in 0 : vector<1024x8xi32>, vector<3072x8xi32> -> vector<4096x8xi32>
    %add3A_69 = arith.addi %add3A_64, %concatenate3A_68 : vector<4096x8xi32>
    %broadcast_in_dim3A_70 = arith.constant 0 : i32
    %broadcast_in_dim3A_71 = vector.broadcast %broadcast_in_dim3A_70 : i32 to vector<2048x8xi32>
    %slice3A_72 = vector.extract_strided_slice %add3A_69 {offsets = [0, 0], sizes = [2048, 8], strides = [1, 1]} : vector<4096x8xi32> to vector<2048x8xi32>
    %concatenate3A_73 = tpu.concatenate %broadcast_in_dim3A_71, %slice3A_72 in 0 : vector<2048x8xi32>, vector<2048x8xi32> -> vector<4096x8xi32>
    %add3A_74 = arith.addi %add3A_69, %concatenate3A_73 : vector<4096x8xi32>
    %slice3A_75 = vector.extract_strided_slice %add3A_74 {offsets = [4095, 0], sizes = [1, 8], strides = [1, 1]} : vector<4096x8xi32> to vector<1x8xi32>
    %add3A_76 = arith.constant 512 : i32
    %add3A_77 = vector.broadcast %add3A_76 : i32 to vector<1x8xi32>
    %add3A_78 = arith.addi %slice3A_75, %add3A_77 : vector<1x8xi32>
    %sub3A = arith.constant 1 : i32
    %sub3A_79 = vector.broadcast %sub3A : i32 to vector<1x8xi32>
    %sub3A_80 = arith.subi %add3A_78, %sub3A_79 : vector<1x8xi32>
    %jit3A_81 = arith.constant 512 : i32
    %div3A = vector.broadcast %jit3A_81 : i32 to vector<1x8xi32>
    %div3A_82 = arith.divsi %sub3A_80, %div3A : vector<1x8xi32>
    %sign3A = arith.constant 0 : i32
    %sign3A_83 = vector.broadcast %sign3A : i32 to vector<1x8xi32>
    %sign3A_84 = arith.cmpi sgt, %sub3A_80, %sign3A_83 : vector<1x8xi32>
    %sign3A_85 = arith.extui %sign3A_84 : vector<1x8xi1> to vector<1x8xi32>
    %sign3A_86 = arith.constant 0 : i32
    %sign3A_87 = vector.broadcast %sign3A_86 : i32 to vector<1x8xi32>
    %sign3A_88 = arith.cmpi slt, %sub3A_80, %sign3A_87 : vector<1x8xi32>
    %sign3A_89 = arith.extui %sign3A_88 : vector<1x8xi1> to vector<1x8xi32>
    %sign3A_90 = arith.subi %sign3A_85, %sign3A_89 : vector<1x8xi32>
    %sign3A_91 = arith.constant 0 : i32
    %sign3A_92 = arith.cmpi sgt, %jit3A_81, %sign3A_91 : i32
    %sign3A_93 = arith.extui %sign3A_92 : i1 to i32
    %sign3A_94 = arith.constant 0 : i32
    %sign3A_95 = arith.cmpi slt, %jit3A_81, %sign3A_94 : i32
    %sign3A_96 = arith.extui %sign3A_95 : i1 to i32
    %sign3A_97 = arith.subi %sign3A_93, %sign3A_96 : i32
    %ne3A = vector.broadcast %sign3A_97 : i32 to vector<1x8xi32>
    %ne3A_98 = arith.cmpi ne, %sign3A_90, %ne3A : vector<1x8xi32>
    %rem3A = vector.broadcast %jit3A_81 : i32 to vector<1x8xi32>
    %rem3A_99 = arith.remsi %sub3A_80, %rem3A : vector<1x8xi32>
    %ne3A_100 = arith.constant 0 : i32
    %ne3A_101 = vector.broadcast %ne3A_100 : i32 to vector<1x8xi32>
    %ne3A_102 = arith.cmpi ne, %rem3A_99, %ne3A_101 : vector<1x8xi32>
    %and3A = arith.andi %ne3A_98, %ne3A_102 : vector<1x8xi1>
    %sub3A_103 = arith.constant 1 : i32
    %sub3A_104 = vector.broadcast %sub3A_103 : i32 to vector<1x8xi32>
    %sub3A_105 = arith.subi %div3A_82, %sub3A_104 : vector<1x8xi32>
    %select_n3A_106 = arith.select %and3A, %sub3A_105, %div3A_82 : vector<1x8xi1>, vector<1x8xi32>
    %mul3A = arith.constant 512 : i32
    %mul3A_107 = vector.broadcast %mul3A : i32 to vector<1x8xi32>
    %mul3A_108 = arith.muli %select_n3A_106, %mul3A_107 : vector<1x8xi32>
    %broadcast_in_dim3A_109 = arith.constant 0 : i32
    %broadcast_in_dim3A_110 = vector.broadcast %broadcast_in_dim3A_109 : i32 to vector<1x1xi32>
    %slice3A_111 = vector.extract_strided_slice %mul3A_108 {offsets = [0, 0], sizes = [1, 7], strides = [1, 1]} : vector<1x8xi32> to vector<1x7xi32>
    %concatenate3A_112 = tpu.concatenate %broadcast_in_dim3A_110, %slice3A_111 in 1 : vector<1x1xi32>, vector<1x7xi32> -> vector<1x8xi32>
    %broadcast_in_dim3A_113 = arith.constant 0 : i32
    %broadcast_in_dim3A_114 = vector.broadcast %broadcast_in_dim3A_113 : i32 to vector<1x1xi32>
    %slice3A_115 = vector.extract_strided_slice %concatenate3A_112 {offsets = [0, 0], sizes = [1, 7], strides = [1, 1]} : vector<1x8xi32> to vector<1x7xi32>
    %concatenate3A_116 = tpu.concatenate %broadcast_in_dim3A_114, %slice3A_115 in 1 : vector<1x1xi32>, vector<1x7xi32> -> vector<1x8xi32>
    %add3A_117 = arith.addi %concatenate3A_112, %concatenate3A_116 : vector<1x8xi32>
    %broadcast_in_dim3A_118 = arith.constant 0 : i32
    %broadcast_in_dim3A_119 = vector.broadcast %broadcast_in_dim3A_118 : i32 to vector<1x2xi32>
    %slice3A_120 = vector.extract_strided_slice %add3A_117 {offsets = [0, 0], sizes = [1, 6], strides = [1, 1]} : vector<1x8xi32> to vector<1x6xi32>
    %concatenate3A_121 = tpu.concatenate %broadcast_in_dim3A_119, %slice3A_120 in 1 : vector<1x2xi32>, vector<1x6xi32> -> vector<1x8xi32>
    %add3A_122 = arith.addi %add3A_117, %concatenate3A_121 : vector<1x8xi32>
    %broadcast_in_dim3A_123 = arith.constant 0 : i32
    %broadcast_in_dim3A_124 = vector.broadcast %broadcast_in_dim3A_123 : i32 to vector<1x4xi32>
    %slice3A_125 = vector.extract_strided_slice %add3A_122 {offsets = [0, 0], sizes = [1, 4], strides = [1, 1]} : vector<1x8xi32> to vector<1x4xi32>
    %concatenate3A_126 = tpu.concatenate %broadcast_in_dim3A_124, %slice3A_125 in 1 : vector<1x4xi32>, vector<1x4xi32> -> vector<1x8xi32>
    %add3A_127 = arith.addi %add3A_122, %concatenate3A_126 : vector<1x8xi32>
    %add3A_128 = arith.addi %add3A_127, %mul3A_108 : vector<1x8xi32>
    %add3A_129 = vector.broadcast %add3A_127 : vector<1x8xi32> to vector<4096x8xi32>
    %add3A_130 = arith.addi %add3A_129, %add3A_74 : vector<4096x8xi32>
    %sub3A_131 = arith.constant 1 : i32
    %sub3A_132 = vector.broadcast %sub3A_131 : i32 to vector<4096x8xi32>
    %sub3A_133 = arith.subi %add3A_130, %sub3A_132 : vector<4096x8xi32>
    %mul3A_134 = arith.muli %convert_element_type3A, %sub3A_133 : vector<4096x8xi32>
    %reduce_sum3A = arith.constant dense<0> : vector<4096xi32>
    %reduce_sum3A_135 = vector.multi_reduction <add>, %mul3A_134, %reduce_sum3A [1] : vector<4096x8xi32> to vector<4096xi32>
    %broadcast_in_dim3A_136 = vector.shape_cast %reduce_sum3A_135 : vector<4096xi32> to vector<4096x1xi32>
    %swap3A_137 = arith.constant 0 : index
    %swap3A_138 = arith.constant 0 : index
    %swap3A_139 = vector.load %arg4[%swap3A_137, %swap3A_138] : memref<4096x1xi32, #tpu.memory_space<vmem>>, vector<4096x1xi32>
    tpu.vector_store %arg4[%swap3A_137, %swap3A_138], %broadcast_in_dim3A_136 {strides = array<i32>} : memref<4096x1xi32, #tpu.memory_space<vmem>>, vector<4096x1xi32>,
    %iota3A_140 = tpu.iota {dimensions = array<i32: 0>} : vector<32x8xi32>
    %mul3A_141 = arith.constant 512 : i32
    %mul3A_142 = vector.broadcast %mul3A_141 : i32 to vector<32x8xi32>
    %mul3A_143 = arith.muli %iota3A_140, %mul3A_142 : vector<32x8xi32>
    %broadcast_in_dim3A_144 = vector.shape_cast %add3A_128 : vector<1x8xi32> to vector<1x8xi32>
    %broadcast_in_dim3A_145 = vector.broadcast %broadcast_in_dim3A_144 : vector<1x8xi32> to vector<32x8xi32>
    %ge3A_146 = arith.cmpi sge, %mul3A_143, %broadcast_in_dim3A_145 : vector<32x8xi32>
    %convert_element_type3A_147 = arith.extui %ge3A_146 : vector<32x8xi1> to vector<32x8xi32>
    %reduce_sum3A_148 = arith.constant dense<0> : vector<32xi32>
    %reduce_sum3A_149 = vector.multi_reduction <add>, %convert_element_type3A_147, %reduce_sum3A_148 [1] : vector<32x8xi32> to vector<32xi32>
    %broadcast_in_dim3A_150 = vector.shape_cast %reduce_sum3A_149 : vector<32xi32> to vector<32x1xi32>
    %swap3A_151 = arith.constant 0 : index
    %swap3A_152 = arith.constant 0 : index
    %swap3A_153 = vector.load %arg5[%swap3A_151, %swap3A_152] : memref<32x1xi32, #tpu.memory_space<vmem>>, vector<32x1xi32>
    tpu.vector_store %arg5[%swap3A_151, %swap3A_152], %broadcast_in_dim3A_150 {strides = array<i32>} : memref<32x1xi32, #tpu.memory_space<vmem>>, vector<32x1xi32>,
    return
  }
}

module attributes {stable_mosaic.version = 14 : i64} {
  func.func @_group_mm_body(%arg0: i32, %arg1: memref<16xi32, #tpu.memory_space<smem>>, %arg2: memref<512x1024xf32, #tpu.memory_space<vmem>>, %arg3: memref<1x1024x256xf32, #tpu.memory_space<vmem>>, %arg4: memref<1x1x256xf32, #tpu.memory_space<vmem>>, %arg5: memref<512x256xf32, #tpu.memory_space<vmem>>) attributes {dimension_semantics = [#tpu.dimension_semantics<arbitrary>], iteration_bounds = array<i64: 16>, scalar_prefetch = 1 : i64, scratch_operands = 0 : i64, tpu.core_type = #tpu.core_type<tc>, window_params = [{transform_indices = @transform_0, window_bounds = array<i64: 512, 1024>}, {transform_indices = @transform_1, window_bounds = array<i64: 1, 1024, 256>}, {transform_indices = @transform_2, window_bounds = array<i64: 1, 1, 256>}, {transform_indices = @transform_3, window_bounds = array<i64: 512, 256>}]} {
    %get3A = arith.index_cast %arg0 : i32 to index
    %get3A_0 = memref.load %arg1[%get3A] : memref<16xi32, #tpu.memory_space<smem>>
    %lt3A = arith.constant 8 : i32
    %lt3A_1 = arith.cmpi slt, %get3A_0, %lt3A : i32
    %convert_element_type3A = arith.extui %lt3A_1 : i1 to i32
    %cond3A = arith.constant 0 : i32
    %cond3A_2 = arith.cmpi ne, %convert_element_type3A, %cond3A : i32
    scf.if %cond3A_2 {
      %get3A_3 = arith.constant 0 : index
      %get3A_4 = arith.constant 0 : index
      %get3A_5 = vector.load %arg2[%get3A_3, %get3A_4] : memref<512x1024xf32, #tpu.memory_space<vmem>>, vector<512x1024xf32>
      %get3A_6 = arith.constant 0 : index
      %get3A_7 = arith.constant 0 : index
      %get3A_8 = arith.constant 0 : index
      %get3A_9 = vector.load %arg3[%get3A_6, %get3A_7, %get3A_8] : memref<1x1024x256xf32, #tpu.memory_space<vmem>>, vector<1x1024x256xf32>
      %get3A_10 = vector.shape_cast %get3A_9 : vector<1x1024x256xf32> to vector<1024x256xf32>
      %dot_general3A = arith.constant dense<0.000000e+00> : vector<512x256xf32>
      %dot_general3A_11 = tpu.matmul %get3A_5, %get3A_10, %dot_general3A {dimension_numbers = #tpu.dot_dimension_numbers<[1], [0], [0], [1], [0, 0, 1, 1], [], []>, transpose_lhs_hint = false} : vector<512x1024xf32>, vector<1024x256xf32>, vector<512x256xf32> -> vector<512x256xf32>
      %get3A_12 = arith.constant 0 : index
      %get3A_13 = arith.constant 0 : index
      %get3A_14 = arith.constant 0 : index
      %get3A_15 = vector.load %arg4[%get3A_12, %get3A_13, %get3A_14] : memref<1x1x256xf32, #tpu.memory_space<vmem>>, vector<1x1x256xf32>
      %get3A_16 = vector.shape_cast %get3A_15 : vector<1x1x256xf32> to vector<1x256xf32>
      %add3A = vector.broadcast %get3A_16 : vector<1x256xf32> to vector<512x256xf32>
      %add3A_17 = arith.addf %dot_general3A_11, %add3A : vector<512x256xf32>
      %swap3A = arith.constant 0 : index
      %swap3A_18 = arith.constant 0 : index
      %swap3A_19 = vector.load %arg5[%swap3A, %swap3A_18] : memref<512x256xf32, #tpu.memory_space<vmem>>, vector<512x256xf32>
      tpu.vector_store %arg5[%swap3A, %swap3A_18], %add3A_17 {strides = array<i32>} : memref<512x256xf32, #tpu.memory_space<vmem>>, vector<512x256xf32>,
    } else {
    }
    return
  }
  func.func @transform_0(%arg0: i32, %arg1: memref<16xi32, #tpu.memory_space<smem>>) -> (i32, i32) {
    %c0_i32 = arith.constant 0 : i32
    %c0_i32_0 = arith.constant 0 : i32
    return %arg0, %c0_i32 : i32, i32
  }
  func.func @transform_1(%arg0: i32, %arg1: memref<16xi32, #tpu.memory_space<smem>>) -> (i32, i32, i32) {
    %get3A = arith.index_cast %arg0 : i32 to index
    %get3A_0 = memref.load %arg1[%get3A] : memref<16xi32, #tpu.memory_space<smem>>
    %min3A = arith.constant 7 : i32
    %min3A_1 = arith.minsi %get3A_0, %min3A : i32
    %c0_i32 = arith.constant 0 : i32
    %c0_i32_2 = arith.constant 0 : i32
    %c0_i32_3 = arith.constant 0 : i32
    return %min3A_1, %c0_i32, %c0_i32_2 : i32, i32, i32
  }
  func.func @transform_2(%arg0: i32, %arg1: memref<16xi32, #tpu.memory_space<smem>>) -> (i32, i32, i32) {
    %get3A = arith.index_cast %arg0 : i32 to index
    %get3A_0 = memref.load %arg1[%get3A] : memref<16xi32, #tpu.memory_space<smem>>
    %min3A = arith.constant 7 : i32
    %min3A_1 = arith.minsi %get3A_0, %min3A : i32
    %c0_i32 = arith.constant 0 : i32
    %c0_i32_2 = arith.constant 0 : i32
    %c0_i32_3 = arith.constant 0 : i32
    return %min3A_1, %c0_i32, %c0_i32_2 : i32, i32, i32
  }
  func.func @transform_3(%arg0: i32, %arg1: memref<16xi32, #tpu.memory_space<smem>>) -> (i32, i32) {
    %c0_i32 = arith.constant 0 : i32
    %c0_i32_0 = arith.constant 0 : i32
    return %arg0, %c0_i32 : i32, i32
  }
}

</mosaic_0001>

<sc_bundles>
// kernel: kernel.6.cloned.1.call-start
scs
__scs_entry_jumppad:
0x0: {  	(pc) =	sbr.rel $0x88, $3  }
0x1: {  	(tag) =	ssettag $0x0;
	lr =	simm.s32 $0x1  }
0x2: {  	[smem:$0x3F9C] =	sst lr;
	_ =	strace $0xD0000000  }
0x3: {  	_ = 	snop  }
0x4: {  	_ = 	snop  }
0x5: {  	_ = 	snop  }
0x6: {  	_ = 	snop  }
0x7: {  	_ = 	snop  }
__scs_overlays_trampoline_lowered:
0x8: {  	[smem:$0x3FAB] =	sst s0  }
0x9: {  	[smem:$0x3FAC] =	sst s1  }
0xa: {  	[smem:$0x3FAD] =	sst s2  }
0xb: {  	[smem:$0x3FAE] =	sst s3  }
0xc: {  	[smem:$0x3FAF] =	sst s4  }
0xd: {  	[smem:$0x3FB0] =	sst s5  }
0xe: {  	[smem:$0x3FB1] =	sst s6  }
0xf: {  	[smem:$0x3FB2] =	sst s7  }
0x10: {  	[smem:$0x3FB3] =	sst s8  }
0x11: {  	[smem:$0x3FB4] =	sst s9;
	s0 =	simm.s32 @!p0 $0x0  }
0x12: {  	s1 =	sld [smem:$0x3F9A];
	s0 =	simm.s32 @p0 $0x1  }
0x13: {  	[smem:$0x3FB5] =	sst s0;
	s0 =	simm.s32 @!p1 $0x0  }
0x14: {  	s2 =	sld [smem:$0x3F99];
	s0 =	simm.s32 @p1 $0x1  }
0x15: {  	[smem:$0x3FB6] =	sst s0;
	s0 =	simm.s32 @!p2 $0x0  }
0x16: {  	s3 =	sld [smem:$0x3FDB];
	s0 =	simm.s32 @p2 $0x1  }
0x17: {  	s4 =	simm.s32 $0x1BF5;
	[smem:$0x3FB8] =	sst s0  }
0x18: {  	s0 =	sld [smem:$0x3F9B];
	_ =	swait.ge [sflag:s4], $0x0  }
0x19: {  	s7 =	sld [smem:$0x3F9C]  }
0x1a: {  	s8 =	sadd.s32 $0xFFFFE003, lr  }
0x1b: {  	s9 =	sadd.s32 $0xFFFFFEF7, lr;
	s5 =	simm.s32 $0xFFFFFFFF;
	p2 =	slt.u32 s8, $0xFFFFF086  }
0x1c: {  	p1 =	slt.u32 s9, $0xF7A;
	s5 =	simm.s32 @!p2 $0x0  }
0x1d: {  	s5 =	simm.s32 @p1 $0x1;
	p0 =	seq.s32 s7, s2  }
0x1e: {  	s7 =	smul.u32 @!p0 $0xF7A, s2;
	p2 =	seq.s32 @!p0 s5, $0x0  }
0x1f: {  	s9 =	smul.u32 $0xF7A, s1;
	s8 =	simm.s32 @!p0 $0x1BF5;
	p2 =	por !p2, p0  }
0x20: {  	[sflag:s8] =	ssyncset.s32 @!p0 $0xFFFFF086;
	s6 =	sadd.s32 @!p0 s3, s7;
	s7 =	simm.s32 @!p0 $0x108  }
0x21: {  	s3 =	sadd.s32 s3, s9;
	s6 =	sadd.s32 @!p0 $0x88, s6;
	s7 =	simm.s32 @p2 $0x1082  }
0x22: {  	[simem:s7], [sflag:s8] =	dma.local @!p0 [hbm:s6], $0xF7A  }
0x23: {  	s9 =	sor.u32 $0xD0000000, s2;
	s6 =	simm.s32 $0x108;
	_ =	swait.ge @!p0 [sflag:s8], $0x0  }
0x24: {  	s3 =	sadd.s32 $0x88, s3;
	s6 =	simm.s32 @!p1 $0x1082;
	[sflag:s4] =	ssyncset.s32 $0xFFFFF086  }
0x25: {  	[simem:s6], [sflag:s4] =	dma.local [hbm:s3], $0xF7A  }
0x26: {  	[smem:$0x3F9C] =	sst s1;
	(tag) =	ssettag s2;
	_ =	strace s9  }
0x27: {  	s1 =	sld [smem:$0x3FAC]  }
0x28: {  	s2 =	sld [smem:$0x3FAD]  }
0x29: {  	s4 =	sld [smem:$0x3FAF]  }
0x2a: {  	p0 =	seq.s32 s5, $0x0;
	s5 =	sld [smem:$0x3FB0]  }
0x2b: {  	s6 =	sld [smem:$0x3FB1]  }
0x2c: {  	s7 =	sld [smem:$0x3FB2]  }
0x2d: {  	s3 =	simm.s32 $0x108;
	s8 =	sld [smem:$0x3FB3]  }
0x2e: {  	s3 =	simm.s32 @!p0 $0x1082;
	s9 =	sld [smem:$0x3FB4]  }
0x2f: {  	lr =	sadd.s32 s0, s3;
	s0 =	sld [smem:$0x3FAB]  }
0x30: {  	s3 =	sld [smem:$0x3FAE]  }
0x31: {  	[smem:$0x3FB7] =	sst s10  }
0x32: {  	s10 =	sld [smem:$0x3FB5];
	_ =	sdelay $0x3  }
0x33: {  	p0 =	seq.s32 s10, $0x1;
	s10 =	sld [smem:$0x3FB7];
	_ =	sdelay $0x3  }
0x34: {  	[smem:$0x3FB7] =	sst s10  }
0x35: {  	s10 =	sld [smem:$0x3FB6];
	_ =	sdelay $0x3  }
0x36: {  	p1 =	seq.s32 s10, $0x1;
	s10 =	sld [smem:$0x3FB7];
	_ =	sdelay $0x3  }
0x37: {  	[smem:$0x3FB7] =	sst s10  }
0x38: {  	s10 =	sld [smem:$0x3FB8]  }
0x39: {  	_ = 	snop;
	(pc) =	sbr.ind lr, $3  }
0x3a: {  	_ = 	snop  }
0x3b: {  	_ = 	snop  }
0x3c: {  	p2 =	seq.s32 s10, $0x1;
	s10 =	sld [smem:$0x3FB7]  }
0x3d: {  	_ =	shalt  }
0x3e: {  	_ =	shalt  }
0x3f: {  	_ =	shalt  }
0x40: {  	_ =	shalt  }
0x41: {  	_ =	shalt  }
0x42: {  	_ =	shalt  }
0x43: {  	_ =	shalt  }
0x44: {  	_ =	shalt  }
0x45: {  	_ =	shalt  }
0x46: {  	_ =	shalt  }
0x47: {  	_ =	shalt  }
0x48: {  	_ =	shalt  }
0x49: {  	_ =	shalt  }
0x4a: {  	_ =	shalt  }
0x4b: {  	_ =	shalt  }
0x4c: {  	_ =	shalt  }
0x4d: {  	_ =	shalt  }
0x4e: {  	_ =	shalt  }
0x4f: {  	_ =	shalt  }
0x50: {  	_ =	shalt  }
0x51: {  	_ =	shalt  }
0x52: {  	_ =	shalt  }
0x53: {  	_ =	shalt  }
0x54: {  	_ =	shalt  }
0x55: {  	_ =	shalt  }
0x56: {  	_ =	shalt  }
0x57: {  	_ =	shalt  }
0x58: {  	_ =	shalt  }
0x59: {  	_ =	shalt  }
0x5a: {  	_ =	shalt  }
0x5b: {  	_ =	shalt  }
0x5c: {  	_ =	shalt  }
0x5d: {  	_ =	shalt  }
0x5e: {  	_ =	shalt  }
0x5f: {  	_ =	shalt  }
0x60: {  	_ =	shalt  }
0x61: {  	_ =	shalt  }
0x62: {  	_ =	shalt  }
0x63: {  	_ =	shalt  }
0x64: {  	_ =	shalt  }
0x65: {  	_ =	shalt  }
0x66: {  	_ =	shalt  }
0x67: {  	_ =	shalt  }
0x68: {  	_ =	shalt  }
0x69: {  	_ =	shalt  }
0x6a: {  	_ =	shalt  }
0x6b: {  	_ =	shalt  }
0x6c: {  	_ =	shalt  }
0x6d: {  	_ =	shalt  }
0x6e: {  	_ =	shalt  }
0x6f: {  	_ =	shalt  }
0x70: {  	_ =	shalt  }
0x71: {  	_ =	shalt  }
0x72: {  	_ =	shalt  }
0x73: {  	_ =	shalt  }
0x74: {  	_ =	shalt  }
0x75: {  	_ =	shalt  }
0x76: {  	_ =	shalt  }
0x77: {  	_ =	shalt  }
0x78: {  	_ =	shalt  }
0x79: {  	_ =	shalt  }
0x7a: {  	_ =	shalt  }
0x7b: {  	_ =	shalt  }
0x7c: {  	_ =	shalt  }
0x7d: {  	_ =	shalt  }
0x7e: {  	_ =	shalt  }
0x7f: {  	_ =	shalt  }
0x80: {  	_ =	shalt  }
0x81: {  	_ =	shalt  }
0x82: {  	_ =	shalt  }
0x83: {  	_ =	shalt  }
0x84: {  	_ =	shalt  }
0x85: {  	_ =	shalt  }
0x86: {  	_ =	shalt  }
0x87: {  	_ =	shalt  }
.Lfunc_end0:
.L_simem_size_0:
called_computation_lowered:
.L_overlay_start_0:
0x88: {  	s2 =	sld [smem:$0x3FD9]  }
0x89: {  	s3 =	sld [smem:$0x3FFE];
	_ =	sdelay $0x1  }
0x8a: {  	s1 =	srdreg.scid  }
0x8b: {  	s0 =	sand.u32 $0x1, s1  }
0x8c: {  	s17 =	sshll.u32 s0, $0xA;
	s2 =	sadd.s32 s3, s2  }
0x8d: {  	s2 =	sadd.s32 s2, s17  }
0x8e: {  	[smem:$0x3FC3] =	sst s2  }
0x8f: {  	_ = 	snop  }
0x90: {  	s2 =	sld [smem:$0x3FC9];
	(tm) =	ssettm $0x1  }
0x91: {  	s18 =	sld [smem:$0x3FFB];
	_ =	sdelay $0x3  }
0x92: {  	_ =	strace s18  }
0x93: {  	s3 =	sld [smem:$0x3FFC];
	_ =	sdelay $0x3  }
0x94: {  	_ =	strace s3  }
0x95: {  	s3 =	sld [smem:$0x3FFD];
	_ =	sdelay $0x3  }
0x96: {  	_ =	strace s3  }
0x97: {  	_ =	strace $0x8FFFFFFF  }
0x98: {  	s19 =	sld [smem:$0x3FDB];
	_ =	sdelay $0x1  }
0x99: {  	s4 =	simm.s32 $_scs_section_size  }
0x9a: {  	s5 =	simm.s32 $_size__tile_overlayer_lowered;
	s6 =	simm.s32 $_tile_overlayer_lowered  }
0x9b: {  	s22 =	simm.s32 $0x1BFF;
	s21 =	sshll.u32 s6, $0x1;
	s3 =	sadd.s32 s4, s19  }
0x9c: {  	s7 =	simm.s32 $0x0;
	s20 =	sshll.u32 s5, $0x1;
	s5 =	sadd.s32 s21, s3  }
0x9d: {  	[timem:s7], [sflag:s22] =	dma.local [hbm:s5], s20  }
0x9e: {  	_ =	swait.ge [sflag:s22], s20  }
0x9f: {  	s4 =	ssub.s32 $0x0, s20;
	[sflag:s22] =	ssyncset.done $0x0  }
0xa0: {  	[sflag:s22] =	ssyncadd.s32 s4;
	_ =	sdelay $0x1  }
0xa1: {  	s23 =	simm.s32 $0x1B8B  }
0xa2: {  	_ =	swait.ge [sflag:s23], $0x1  }
0xa3: {  	[sflag:s23] =	ssyncset.done $0x0  }
0xa4: {  	s25 =	simm.s32 $0x1B8E;
	s24 =	sld [smem:$0x3FFE];
	[sflag:s23] =	ssyncadd.s32 $0xFFFFFFFF  }
0xa5: {  	s26 =	simm.s32 $execute0_lowered;
	[smem:$0x3FD2] =	sst s25  }
0xa6: {  	s5 =	sshll.u32 s26, $0x1;
	_ =	strace $0x80000046;
	[dreg:$0x1] =	wrdreg $0xFFFFFFFF  }
0xa7: {  	s28 =	simm.s32 $_size_execute0_lowered;
	s3 =	sadd.s32 s3, s5;
	[dreg:$0x0] =	wrdreg $0x0  }
0xa8: {  	s5 =	sshll.u32 s28, $0x1;
	[dreg:$0x2] =	wrdreg s3  }
0xa9: {  	[dreg:$0x3] =	wrdreg s5  }
0xaa: {  	[dreg:$0x4] =	wrdreg $0xC0  }
0xab: {  	_ =	task [dreg:s7], $0x5FFFF  }
0xac: {  	[dreg:$0x1] =	wrdreg $0xFFFFFFFF  }
0xad: {  	[dreg:$0x0] =	wrdreg $0x60  }
0xae: {  	[dreg:$0x2] =	wrdreg s24  }
0xaf: {  	[dreg:$0x3] =	wrdreg s2  }
0xb0: {  	[dreg:$0x4] =	wrdreg $0x9  }
0xb1: {  	_ =	task.clear_ibuf [dreg:s7], $0x5FFFF;
	_ =	strace $0x90000046  }
0xb2: {  	s29 =	simm.s32 $0x9;
	_ =	strace $0x80000048  }
0xb3: {  	_ =	swait.ge [sflag:s29], $0x1  }
0xb4: {  	[sflag:s29] =	ssyncadd.s32 $0xFFFFFFFF  }
0xb5: {  	_ =	strace $0x90000048  }
0xb6: {  	_ =	sfence  }
0xb7: {  	s30 =	sld [smem:$0x0];
	_ =	sdelay $0x2  }
0xb8: {  	s31 =	sshll.u32 s1, $0xD;
	s1 =	sshrl.u32 s1, $0x2  }
0xb9: {  	s3 =	sand.u32 $0x4000, s31;
	s1 =	sadd.s32 s1, s30  }
0xba: {  	s0 =	sor.u32 s3, s0;
	s1 =	sshll.u32 s1, $0x11  }
0xbb: {  	s0 =	sor.u32 s1, s0  }
0xbc: {  	s0 =	sadd.s32 $0x8F2B, s0  }
0xbd: {  	[sflag:s0] =	ssyncadd.remote.s32 $0x1  }
0xbe: {  	_ =	sfence.sel $0xFFFF  }
0xbf: {  	[dreg:$0x0] =	wrdreg $0xFFFFFFFF;
	(pc) =	sbr.abs _section_cstart, $3  }
0xc0: {  	[dreg:$0x1] =	wrdreg $0xFFFFFFFF  }
0xc1: {  	_ =	task.clear_ibuf [dreg:s7], $0x2FFFF;
	_ =	strace $0x9FFFFFFF  }
0xc2: {  	(tm) =	ssettm $0x7FFFFFFF  }
0xc3: {  	_ =	shalt  }
tec
execute0_lowered:
.L_overlay_start_1:
0x0: {  	(tag) =	ssettag $0x1  }
0x1: {  	s0 =	rddreg [dreg:$0x0];
	s1 =	srdreg.scid  }
0x2: {  	s2 =	stileid.u32;
	s4 =	rddreg [dreg:$0x1]  }
0x3: {  	s9 =	simm.s32 $0x2;
	s26 =	simm.s32 $0x80;
	s19 =	simm.s32 $0x1  }
0x4: {  	s22 =	simm.s32 $0x900;
	s28 =	simm.s32 $0x3100;
	s29 =	simm.s32 $0x3900  }
0x5: {  	s30 =	simm.s32 $0x4100;
	s31 =	simm.s32 $0x4900;
	s11 =	simm.s32 $0x6900  }
0x6: {  	s12 =	simm.s32 $0x7100;
	s13 =	simm.s32 $0x7900;
	s14 =	simm.s32 $0x8100  }
0x7: {  	s15 =	simm.s32 $0x8900;
	s16 =	simm.s32 $0x9100;
	s17 =	simm.s32 $0x9900  }
0x8: {  	s18 =	simm.s32 $0xA100;
	s1 =	sand.u32 $0x1, s1;
	s3 =	sshll.u32 s2, $0x1  }
0x9: {  	s10 =	simm.s32 $0xA900;
	s2 =	simm.s32 $0x0;
	s5 =	sor.u32 s1, s3  }
0xa: {  	[smem:$0x7FF] =	sst s2;
	s1 =	ssub.s32 $0x2, s1;
	s3 =	sshll.u32 s5, $0x5  }
0xb: {  	_ =	strace $0x80000047;
	s7 =	sshrl.u32 s1, $0x1;
	s5 =	sshll.u32 s5, $0xE  }
0xc: {  	[dreg:$0x6] =	wrdreg s26;
	s26 =	simm.s32 $0x2900;
	s6 =	sadd.s32 s3, s0  }
0xd: {  	s3 =	sadd.s32 $0x1400, s0;
	s1 =	ssub.s32 s1, s7;
	s23 =	sadd.s32 s4, s5  }
0xe: {  	s5 =	sadd.s32 $0x1500, s0;
	s8 =	sadd.s32 $0x1000, s6;
	[dreg:$0x7] =	wrdreg s23  }
0xf: {  	s7 =	sadd.s32 $0x1700, s0;
	s24 =	sadd.s32 $0x1010, s6;
	[dreg:$0x3] =	wrdreg s8  }
0x10: {  	v2 =	vlaneseq.u32;
	s6 =	sadd.s32 $0x1600, s0;
	s25 =	sadd.s32 $0x2000, s23;
	[dreg:$0x4] =	wrdreg s24  }
0x11: {  	vm0 =	vmmov $0xffff;
	v1 =	vshrl.u32 v2, $0x3;
	s23 =	simm.s32 $0x1100;
	[dreg:$0x5] =	wrdreg s25;
	s8 =	smax.u32 s1, $0x1  }
0x12: {  	v0 =	vand.u32 $0x7, v2;
	v2 =	vor.u32 $0x8, v2;
	v1 =	vmul.u32 $0x8, v1;
	s24 =	simm.s32 $0x1900;
	s25 =	simm.s32 $0x2100;
	s1 =	simm.s32 $0x5100  }
.LBB2_1:
0x13: {  	s20 =	rddreg [dreg:$0x3]  }
0x14: {  	[tilespmem:s2], [sflag:$0x2] =	stream.linear.gather [hbm4b:s20+s2], $0x80, $0x38;
	[tilespmem:$0x10100] =	vst v63  }
0x15: {  	_ =	swait.ge [sflag:s9], $0x80  }
0x16: {  	[sflag:s9] =	ssyncset.done $0x0  }
0x17: {  	s0 =	simm.s32 $0x100;
	s4 =	rddreg [dreg:$0x7];
	[sflag:s9] =	ssyncadd.s32 $0xFFFFFF80  }
0x18: {  	[tilespmem:s0], [sflag:$0x2] =	stream.linear.gather [hbm4b:s4+s2], $0x10000, $0x38;
	[tilespmem:$0x10100] =	vst v63  }
0x19: {  	_ =	swait.ge [sflag:s9], $0x10000  }
0x1a: {  	[sflag:s9] =	ssyncset.done $0x0  }
0x1b: {  	[sflag:s9] =	ssyncadd.s32 $0xFFFF0000  }
0x1c: {  	v3 =	vld [tilespmem:$0x0];
	_ =	sdelay $0x4  }
0x1d: {  	v4 =	vshll.u32 v3, $0x3  }
0x1e: {  	v3 =	vand.u32 $0x7, v3;
	v4 =	vand.u32 $0xFFFFFFC0, v4  }
0x1f: {  	v3 =	vor.u32 v3, v4  }
0x20: {  	v4 =	vperm.xlane v3, v0;
	_ =	sdelay $0x1  }
0x21: {  	v4 =	vadd.s32 v1, v4;
	_ =	sdelay $0x4  }
0x22: {  	[hbm4b:s3+s2] =	stream.indirect_vreg.scatter [tilespmem:s0], [sflag:$0x1], $0x80, v4, vm0, $0xb8;
	[tilespmem:$0x10100] =	vst v63  }
0x23: {  	v3 =	vperm.xlane v3, v2  }
0x24: {  	[hbm4b:s5+s2] =	stream.indirect_vreg.scatter [tilespmem:s22], [sflag:$0x1], $0x80, v4, vm0, $0xb8;
	[tilespmem:$0x10100] =	vst v63  }
0x25: {  	v3 =	vadd.s32 v1, v3  }
0x26: {  	[hbm4b:s6+s2] =	stream.indirect_vreg.scatter [tilespmem:s23], [sflag:$0x1], $0x80, v4, vm0, $0xb8;
	[tilespmem:$0x10100] =	vst v63  }
0x27: {  	_ = 	snop  }
0x28: {  	[hbm4b:s7+s2] =	stream.indirect_vreg.scatter [tilespmem:s24], [sflag:$0x1], $0x80, v4, vm0, $0xb8;
	[tilespmem:$0x10100] =	vst v63  }
0x29: {  	_ = 	snop  }
0x2a: {  	[hbm4b:s3+s2] =	stream.indirect_vreg.scatter [tilespmem:s25], [sflag:$0x1], $0x80, v3, vm0, $0xb8;
	[tilespmem:$0x10100] =	vst v63  }
0x2b: {  	_ = 	snop  }
0x2c: {  	[hbm4b:s5+s2] =	stream.indirect_vreg.scatter [tilespmem:s26], [sflag:$0x1], $0x80, v3, vm0, $0xb8;
	[tilespmem:$0x10100] =	vst v63  }
0x2d: {  	_ = 	snop  }
0x2e: {  	[hbm4b:s6+s2] =	stream.indirect_vreg.scatter [tilespmem:s28], [sflag:$0x1], $0x80, v3, vm0, $0xb8;
	[tilespmem:$0x10100] =	vst v63  }
0x2f: {  	_ = 	snop  }
0x30: {  	[hbm4b:s7+s2] =	stream.indirect_vreg.scatter [tilespmem:s29], [sflag:$0x1], $0x80, v3, vm0, $0xb8;
	[tilespmem:$0x10100] =	vst v63  }
0x31: {  	v3 =	vld [tilespmem:$0x10];
	_ =	sdelay $0x4  }
0x32: {  	v57 =	vshll.u32 v3, $0x3  }
0x33: {  	v3 =	vand.u32 $0x7, v3;
	v4 =	vand.u32 $0xFFFFFFC0, v57  }
0x34: {  	v3 =	vor.u32 v3, v4  }
0x35: {  	v4 =	vperm.xlane v3, v0;
	_ =	sdelay $0x1  }
0x36: {  	v4 =	vadd.s32 v1, v4;
	_ =	sdelay $0x4  }
0x37: {  	[hbm4b:s3+s2] =	stream.indirect_vreg.scatter [tilespmem:s30], [sflag:$0x1], $0x80, v4, vm0, $0xb8;
	[tilespmem:$0x10100] =	vst v63  }
0x38: {  	v3 =	vperm.xlane v3, v2  }
0x39: {  	[hbm4b:s5+s2] =	stream.indirect_vreg.scatter [tilespmem:s31], [sflag:$0x1], $0x80, v4, vm0, $0xb8;
	[tilespmem:$0x10100] =	vst v63  }
0x3a: {  	v3 =	vadd.s32 v1, v3  }
0x3b: {  	[hbm4b:s6+s2] =	stream.indirect_vreg.scatter [tilespmem:s1], [sflag:$0x1], $0x80, v4, vm0, $0xb8;
	[tilespmem:$0x10100] =	vst v63  }
0x3c: {  	s4 =	simm.s32 $0x5900  }
0x3d: {  	[hbm4b:s7+s2] =	stream.indirect_vreg.scatter [tilespmem:s4], [sflag:$0x1], $0x80, v4, vm0, $0xb8;
	[tilespmem:$0x10100] =	vst v63  }
0x3e: {  	s4 =	simm.s32 $0x6100  }
0x3f: {  	[hbm4b:s3+s2] =	stream.indirect_vreg.scatter [tilespmem:s4], [sflag:$0x1], $0x80, v3, vm0, $0xb8;
	[tilespmem:$0x10100] =	vst v63  }
0x40: {  	_ = 	snop  }
0x41: {  	[hbm4b:s5+s2] =	stream.indirect_vreg.scatter [tilespmem:s11], [sflag:$0x1], $0x80, v3, vm0, $0xb8;
	[tilespmem:$0x10100] =	vst v63  }
0x42: {  	_ = 	snop  }
0x43: {  	[hbm4b:s6+s2] =	stream.indirect_vreg.scatter [tilespmem:s12], [sflag:$0x1], $0x80, v3, vm0, $0xb8;
	[tilespmem:$0x10100] =	vst v63  }
0x44: {  	_ = 	snop  }
0x45: {  	[hbm4b:s7+s2] =	stream.indirect_vreg.scatter [tilespmem:s13], [sflag:$0x1], $0x80, v3, vm0, $0xb8;
	[tilespmem:$0x10100] =	vst v63  }
0x46: {  	v3 =	vld [tilespmem:$0x20];
	_ =	sdelay $0x4  }
0x47: {  	v58 =	vshll.u32 v3, $0x3  }
0x48: {  	v3 =	vand.u32 $0x7, v3;
	v4 =	vand.u32 $0xFFFFFFC0, v58  }
0x49: {  	v3 =	vor.u32 v3, v4  }
0x4a: {  	v4 =	vperm.xlane v3, v0;
	_ =	sdelay $0x1  }
0x4b: {  	v4 =	vadd.s32 v1, v4;
	_ =	sdelay $0x4  }
0x4c: {  	[hbm4b:s3+s2] =	stream.indirect_vreg.scatter [tilespmem:s14], [sflag:$0x1], $0x80, v4, vm0, $0xb8;
	[tilespmem:$0x10100] =	vst v63  }
0x4d: {  	v3 =	vperm.xlane v3, v2  }
0x4e: {  	[hbm4b:s5+s2] =	stream.indirect_vreg.scatter [tilespmem:s15], [sflag:$0x1], $0x80, v4, vm0, $0xb8;
	[tilespmem:$0x10100] =	vst v63  }
0x4f: {  	v3 =	vadd.s32 v1, v3  }
0x50: {  	[hbm4b:s6+s2] =	stream.indirect_vreg.scatter [tilespmem:s16], [sflag:$0x1], $0x80, v4, vm0, $0xb8;
	[tilespmem:$0x10100] =	vst v63  }
0x51: {  	_ = 	snop  }
0x52: {  	[hbm4b:s7+s2] =	stream.indirect_vreg.scatter [tilespmem:s17], [sflag:$0x1], $0x80, v4, vm0, $0xb8;
	[tilespmem:$0x10100] =	vst v63  }
0x53: {  	_ = 	snop  }
0x54: {  	[hbm4b:s3+s2] =	stream.indirect_vreg.scatter [tilespmem:s18], [sflag:$0x1], $0x80, v3, vm0, $0xb8;
	[tilespmem:$0x10100] =	vst v63  }
0x55: {  	_ = 	snop  }
0x56: {  	[hbm4b:s5+s2] =	stream.indirect_vreg.scatter [tilespmem:s10], [sflag:$0x1], $0x80, v3, vm0, $0xb8;
	[tilespmem:$0x10100] =	vst v63  }
0x57: {  	s21 =	simm.s32 $0xB100  }
0x58: {  	[hbm4b:s6+s2] =	stream.indirect_vreg.scatter [tilespmem:s21], [sflag:$0x1], $0x80, v3, vm0, $0xb8;
	[tilespmem:$0x10100] =	vst v63  }
0x59: {  	s21 =	simm.s32 $0xB900  }
0x5a: {  	[hbm4b:s7+s2] =	stream.indirect_vreg.scatter [tilespmem:s21], [sflag:$0x1], $0x80, v3, vm0, $0xb8;
	[tilespmem:$0x10100] =	vst v63  }
0x5b: {  	v3 =	vld [tilespmem:$0x30];
	_ =	sdelay $0x4  }
0x5c: {  	v59 =	vshll.u32 v3, $0x3  }
0x5d: {  	v3 =	vand.u32 $0x7, v3;
	v4 =	vand.u32 $0xFFFFFFC0, v59  }
0x5e: {  	v3 =	vor.u32 v3, v4  }
0x5f: {  	v4 =	vperm.xlane v3, v0;
	_ =	sdelay $0x1  }
0x60: {  	v4 =	vadd.s32 v1, v4;
	_ =	sdelay $0x3  }
0x61: {  	s21 =	simm.s32 $0xC100  }
0x62: {  	[hbm4b:s3+s2] =	stream.indirect_vreg.scatter [tilespmem:s21], [sflag:$0x1], $0x80, v4, vm0, $0xb8;
	[tilespmem:$0x10100] =	vst v63  }
0x63: {  	v3 =	vperm.xlane v3, v2;
	s21 =	simm.s32 $0xC900  }
0x64: {  	[hbm4b:s5+s2] =	stream.indirect_vreg.scatter [tilespmem:s21], [sflag:$0x1], $0x80, v4, vm0, $0xb8;
	[tilespmem:$0x10100] =	vst v63  }
0x65: {  	v3 =	vadd.s32 v1, v3;
	s21 =	simm.s32 $0xD100  }
0x66: {  	[hbm4b:s6+s2] =	stream.indirect_vreg.scatter [tilespmem:s21], [sflag:$0x1], $0x80, v4, vm0, $0xb8;
	[tilespmem:$0x10100] =	vst v63  }
0x67: {  	s21 =	simm.s32 $0xD900  }
0x68: {  	[hbm4b:s7+s2] =	stream.indirect_vreg.scatter [tilespmem:s21], [sflag:$0x1], $0x80, v4, vm0, $0xb8;
	[tilespmem:$0x10100] =	vst v63  }
0x69: {  	s21 =	simm.s32 $0xE100  }
0x6a: {  	[hbm4b:s3+s2] =	stream.indirect_vreg.scatter [tilespmem:s21], [sflag:$0x1], $0x80, v3, vm0, $0xb8;
	[tilespmem:$0x10100] =	vst v63  }
0x6b: {  	s21 =	simm.s32 $0xE900  }
0x6c: {  	[hbm4b:s5+s2] =	stream.indirect_vreg.scatter [tilespmem:s21], [sflag:$0x1], $0x80, v3, vm0, $0xb8;
	[tilespmem:$0x10100] =	vst v63  }
0x6d: {  	s21 =	simm.s32 $0xF100  }
0x6e: {  	[hbm4b:s6+s2] =	stream.indirect_vreg.scatter [tilespmem:s21], [sflag:$0x1], $0x80, v3, vm0, $0xb8;
	[tilespmem:$0x10100] =	vst v63  }
0x6f: {  	s21 =	simm.s32 $0xF900  }
0x70: {  	[hbm4b:s7+s2] =	stream.indirect_vreg.scatter [tilespmem:s21], [sflag:$0x1], $0x80, v3, vm0, $0xb8;
	[tilespmem:$0x10100] =	vst v63  }
0x71: {  	_ =	swait.ge [sflag:s19], $0x10000  }
0x72: {  	s20 =	rddreg [dreg:$0x4];
	[sflag:s19] =	ssyncset.done $0x0  }
0x73: {  	s21 =	rddreg [dreg:$0x6];
	[sflag:s19] =	ssyncadd.s32 $0xFFFF0000  }
0x74: {  	[tilespmem:s21], [sflag:$0x2] =	stream.linear.gather [hbm4b:s20+s2], $0x80, $0x38;
	[tilespmem:$0x10100] =	vst v63  }
0x75: {  	_ =	swait.ge [sflag:s9], $0x80  }
0x76: {  	[sflag:s9] =	ssyncset.done $0x0  }
0x77: {  	s21 =	rddreg [dreg:$0x5];
	[sflag:s9] =	ssyncadd.s32 $0xFFFFFF80  }
0x78: {  	[tilespmem:s0], [sflag:$0x2] =	stream.linear.gather [hbm4b:s21+s2], $0x10000, $0x38;
	[tilespmem:$0x10100] =	vst v63  }
0x79: {  	_ =	swait.ge [sflag:s9], $0x10000  }
0x7a: {  	[sflag:s9] =	ssyncset.done $0x0  }
0x7b: {  	[sflag:s9] =	ssyncadd.s32 $0xFFFF0000  }
0x7c: {  	v3 =	vld [tilespmem:$0x80];
	_ =	sdelay $0x4  }
0x7d: {  	v60 =	vshll.u32 v3, $0x3  }
0x7e: {  	v3 =	vand.u32 $0x7, v3;
	v4 =	vand.u32 $0xFFFFFFC0, v60  }
0x7f: {  	v3 =	vor.u32 v3, v4  }
0x80: {  	v4 =	vperm.xlane v3, v0;
	_ =	sdelay $0x1  }
0x81: {  	v4 =	vadd.s32 v1, v4;
	_ =	sdelay $0x4  }
0x82: {  	[hbm4b:s3+s2] =	stream.indirect_vreg.scatter [tilespmem:s0], [sflag:$0x1], $0x80, v4, vm0, $0xb8;
	[tilespmem:$0x10100] =	vst v63  }
0x83: {  	v3 =	vperm.xlane v3, v2  }
0x84: {  	[hbm4b:s5+s2] =	stream.indirect_vreg.scatter [tilespmem:s22], [sflag:$0x1], $0x80, v4, vm0, $0xb8;
	[tilespmem:$0x10100] =	vst v63  }
0x85: {  	v3 =	vadd.s32 v1, v3  }
0x86: {  	[hbm4b:s6+s2] =	stream.indirect_vreg.scatter [tilespmem:s23], [sflag:$0x1], $0x80, v4, vm0, $0xb8;
	[tilespmem:$0x10100] =	vst v63  }
0x87: {  	_ = 	snop  }
0x88: {  	[hbm4b:s7+s2] =	stream.indirect_vreg.scatter [tilespmem:s24], [sflag:$0x1], $0x80, v4, vm0, $0xb8;
	[tilespmem:$0x10100] =	vst v63  }
0x89: {  	_ = 	snop  }
0x8a: {  	[hbm4b:s3+s2] =	stream.indirect_vreg.scatter [tilespmem:s25], [sflag:$0x1], $0x80, v3, vm0, $0xb8;
	[tilespmem:$0x10100] =	vst v63  }
0x8b: {  	_ = 	snop  }
0x8c: {  	[hbm4b:s5+s2] =	stream.indirect_vreg.scatter [tilespmem:s26], [sflag:$0x1], $0x80, v3, vm0, $0xb8;
	[tilespmem:$0x10100] =	vst v63  }
0x8d: {  	_ = 	snop  }
0x8e: {  	[hbm4b:s6+s2] =	stream.indirect_vreg.scatter [tilespmem:s28], [sflag:$0x1], $0x80, v3, vm0, $0xb8;
	[tilespmem:$0x10100] =	vst v63  }
0x8f: {  	_ = 	snop  }
0x90: {  	[hbm4b:s7+s2] =	stream.indirect_vreg.scatter [tilespmem:s29], [sflag:$0x1], $0x80, v3, vm0, $0xb8;
	[tilespmem:$0x10100] =	vst v63  }
0x91: {  	v3 =	vld [tilespmem:$0x90];
	_ =	sdelay $0x4  }
0x92: {  	v61 =	vshll.u32 v3, $0x3  }
0x93: {  	v3 =	vand.u32 $0x7, v3;
	v4 =	vand.u32 $0xFFFFFFC0, v61  }
0x94: {  	v3 =	vor.u32 v3, v4  }
0x95: {  	v4 =	vperm.xlane v3, v0;
	_ =	sdelay $0x1  }
0x96: {  	v4 =	vadd.s32 v1, v4;
	_ =	sdelay $0x4  }
0x97: {  	[hbm4b:s3+s2] =	stream.indirect_vreg.scatter [tilespmem:s30], [sflag:$0x1], $0x80, v4, vm0, $0xb8;
	[tilespmem:$0x10100] =	vst v63  }
0x98: {  	v3 =	vperm.xlane v3, v2  }
0x99: {  	[hbm4b:s5+s2] =	stream.indirect_vreg.scatter [tilespmem:s31], [sflag:$0x1], $0x80, v4, vm0, $0xb8;
	[tilespmem:$0x10100] =	vst v63  }
0x9a: {  	v3 =	vadd.s32 v1, v3  }
0x9b: {  	[hbm4b:s6+s2] =	stream.indirect_vreg.scatter [tilespmem:s1], [sflag:$0x1], $0x80, v4, vm0, $0xb8;
	[tilespmem:$0x10100] =	vst v63  }
0x9c: {  	s20 =	simm.s32 $0x5900  }
0x9d: {  	[hbm4b:s7+s2] =	stream.indirect_vreg.scatter [tilespmem:s20], [sflag:$0x1], $0x80, v4, vm0, $0xb8;
	[tilespmem:$0x10100] =	vst v63  }
0x9e: {  	_ = 	snop  }
0x9f: {  	[hbm4b:s3+s2] =	stream.indirect_vreg.scatter [tilespmem:s4], [sflag:$0x1], $0x80, v3, vm0, $0xb8;
	[tilespmem:$0x10100] =	vst v63  }
0xa0: {  	_ = 	snop  }
0xa1: {  	[hbm4b:s5+s2] =	stream.indirect_vreg.scatter [tilespmem:s11], [sflag:$0x1], $0x80, v3, vm0, $0xb8;
	[tilespmem:$0x10100] =	vst v63  }
0xa2: {  	_ = 	snop  }
0xa3: {  	[hbm4b:s6+s2] =	stream.indirect_vreg.scatter [tilespmem:s12], [sflag:$0x1], $0x80, v3, vm0, $0xb8;
	[tilespmem:$0x10100] =	vst v63  }
0xa4: {  	_ = 	snop  }
0xa5: {  	[hbm4b:s7+s2] =	stream.indirect_vreg.scatter [tilespmem:s13], [sflag:$0x1], $0x80, v3, vm0, $0xb8;
	[tilespmem:$0x10100] =	vst v63  }
0xa6: {  	v3 =	vld [tilespmem:$0xA0];
	_ =	sdelay $0x4  }
0xa7: {  	v62 =	vshll.u32 v3, $0x3  }
0xa8: {  	v3 =	vand.u32 $0x7, v3;
	v4 =	vand.u32 $0xFFFFFFC0, v62  }
0xa9: {  	v3 =	vor.u32 v3, v4  }
0xaa: {  	v4 =	vperm.xlane v3, v0;
	_ =	sdelay $0x1  }
0xab: {  	v4 =	vadd.s32 v1, v4;
	_ =	sdelay $0x4  }
0xac: {  	[hbm4b:s3+s2] =	stream.indirect_vreg.scatter [tilespmem:s14], [sflag:$0x1], $0x80, v4, vm0, $0xb8;
	[tilespmem:$0x10100] =	vst v63  }
0xad: {  	v3 =	vperm.xlane v3, v2  }
0xae: {  	[hbm4b:s5+s2] =	stream.indirect_vreg.scatter [tilespmem:s15], [sflag:$0x1], $0x80, v4, vm0, $0xb8;
	[tilespmem:$0x10100] =	vst v63  }
0xaf: {  	v3 =	vadd.s32 v1, v3  }
0xb0: {  	[hbm4b:s6+s2] =	stream.indirect_vreg.scatter [tilespmem:s16], [sflag:$0x1], $0x80, v4, vm0, $0xb8;
	[tilespmem:$0x10100] =	vst v63  }
0xb1: {  	_ = 	snop  }
0xb2: {  	[hbm4b:s7+s2] =	stream.indirect_vreg.scatter [tilespmem:s17], [sflag:$0x1], $0x80, v4, vm0, $0xb8;
	[tilespmem:$0x10100] =	vst v63  }
0xb3: {  	_ = 	snop  }
0xb4: {  	[hbm4b:s3+s2] =	stream.indirect_vreg.scatter [tilespmem:s18], [sflag:$0x1], $0x80, v3, vm0, $0xb8;
	[tilespmem:$0x10100] =	vst v63  }
0xb5: {  	_ = 	snop  }
0xb6: {  	[hbm4b:s5+s2] =	stream.indirect_vreg.scatter [tilespmem:s10], [sflag:$0x1], $0x80, v3, vm0, $0xb8;
	[tilespmem:$0x10100] =	vst v63  }
0xb7: {  	s21 =	simm.s32 $0xB100  }
0xb8: {  	[hbm4b:s6+s2] =	stream.indirect_vreg.scatter [tilespmem:s21], [sflag:$0x1], $0x80, v3, vm0, $0xb8;
	[tilespmem:$0x10100] =	vst v63  }
0xb9: {  	s4 =	simm.s32 $0xB900  }
0xba: {  	[hbm4b:s7+s2] =	stream.indirect_vreg.scatter [tilespmem:s4], [sflag:$0x1], $0x80, v3, vm0, $0xb8;
	[tilespmem:$0x10100] =	vst v63  }
0xbb: {  	v3 =	vld [tilespmem:$0xB0];
	_ =	sdelay $0x4  }
0xbc: {  	v63 =	vshll.u32 v3, $0x3  }
0xbd: {  	v3 =	vand.u32 $0x7, v3;
	v4 =	vand.u32 $0xFFFFFFC0, v63  }
0xbe: {  	v3 =	vor.u32 v3, v4  }
0xbf: {  	v4 =	vperm.xlane v3, v0;
	_ =	sdelay $0x1  }
0xc0: {  	v4 =	vadd.s32 v1, v4;
	_ =	sdelay $0x3  }
0xc1: {  	s20 =	simm.s32 $0xC100  }
0xc2: {  	[hbm4b:s3+s2] =	stream.indirect_vreg.scatter [tilespmem:s20], [sflag:$0x1], $0x80, v4, vm0, $0xb8;
	[tilespmem:$0x10100] =	vst v63  }
0xc3: {  	s21 =	simm.s32 $0xC900;
	v3 =	vperm.xlane v3, v2  }
0xc4: {  	[hbm4b:s5+s2] =	stream.indirect_vreg.scatter [tilespmem:s21], [sflag:$0x1], $0x80, v4, vm0, $0xb8;
	[tilespmem:$0x10100] =	vst v63  }
0xc5: {  	s4 =	simm.s32 $0xD100;
	v3 =	vadd.s32 v1, v3  }
0xc6: {  	[hbm4b:s6+s2] =	stream.indirect_vreg.scatter [tilespmem:s4], [sflag:$0x1], $0x80, v4, vm0, $0xb8;
	[tilespmem:$0x10100] =	vst v63  }
0xc7: {  	s20 =	simm.s32 $0xD900  }
0xc8: {  	[hbm4b:s7+s2] =	stream.indirect_vreg.scatter [tilespmem:s20], [sflag:$0x1], $0x80, v4, vm0, $0xb8;
	[tilespmem:$0x10100] =	vst v63  }
0xc9: {  	s21 =	simm.s32 $0xE100  }
0xca: {  	[hbm4b:s3+s2] =	stream.indirect_vreg.scatter [tilespmem:s21], [sflag:$0x1], $0x80, v3, vm0, $0xb8;
	[tilespmem:$0x10100] =	vst v63  }
0xcb: {  	s4 =	simm.s32 $0xE900  }
0xcc: {  	[hbm4b:s5+s2] =	stream.indirect_vreg.scatter [tilespmem:s4], [sflag:$0x1], $0x80, v3, vm0, $0xb8;
	[tilespmem:$0x10100] =	vst v63  }
0xcd: {  	p0 =	sne.s32 s8, $0x1;
	s20 =	simm.s32 $0xF100  }
0xce: {  	[hbm4b:s6+s2] =	stream.indirect_vreg.scatter [tilespmem:s20], [sflag:$0x1], $0x80, v3, vm0, $0xb8;
	[tilespmem:$0x10100] =	vst v63  }
.Ltmp0:
0xcf: {  	s21 =	simm.s32 $0xF900;
	(pc) =	sbr.rel @p0 .LBB2_1-.Ltmp0, $4  }
0xd0: {  	[hbm4b:s7+s2] =	stream.indirect_vreg.scatter [tilespmem:s21], [sflag:$0x1], $0x80, v3, vm0, $0xb8;
	[tilespmem:$0x10100] =	vst v63  }
0xd1: {  	_ =	swait.ge [sflag:s19], $0x10000  }
0xd2: {  	[sflag:s19] =	ssyncset.done $0x0  }
0xd3: {  	s8 =	sadd.s32 $0xFFFFFFFF, s8;
	[sflag:s19] =	ssyncadd.s32 $0xFFFF0000  }
0xd4: {  	_ =	sfence.sel $0x180000  }
0xd5: {  	[bflag:$0x0] =	sbarrier.arrive $0xFFFF  }
0xd6: {  	_ =	strace $0x90000047  }
0xd7: {  	s0 =	stileid.u32;
	[bflag:$0x2] =	sbarrier.arrive $0xFFFF  }
0xd8: {  	p0 =	sne.s32 s0, $0x0;
	s0 =	rddreg [dreg:$0x2]  }
0xd9: {  	s0 =	sadd.s32 @!p0 $0x100000, s0  }
0xda: {  	[sflag:s0] =	ssyncadd.tile.s32 @!p0 $0x1;
	_ =	shalt  }
.Lfunc_end2:
_tile_overlayer_lowered:
.L_overlay_start_2:
0xdb: {  	(tag) =	ssettag $0x2  }
0xdc: {  	s0 =	rddreg [dreg:$0x0];
	s2 =	stileid.u32  }
0xdd: {  	s1 =	rddreg [dreg:$0x1];
	p0 =	sne.s32 s2, $0x0  }
0xde: {  	s3 =	rddreg [dreg:$0x2];
	[bflag:$0x3] =	sbarrier.arrive $0xFFFF;
	s2 =	simm.s32 @!p0 $0x1C02  }
0xdf: {  	[timem:s3], [sflag:s2] =	dma.local @!p0 [hbm:s0], s1  }
0xe0: {  	s0 =	simm.s32 @!p0 $0x2  }
0xe1: {  	_ =	swait.ge @!p0 [sflag:s0], s1  }
0xe2: {  	s1 =	ssub.s32 @!p0 $0x0, s1;
	[sflag:s0] =	ssyncset.done @!p0 $0x0  }
0xe3: {  	[sflag:s0] =	ssyncadd.s32 @!p0 s1  }
0xe4: {  	[bflag:$0x3] =	sbarrier.arrive $0xFFFF  }
0xe5: {  	_ =	shalt  }

// kernel: kernel.9.cloned.1.call-start
scs
__scs_entry_jumppad:
0x0: {  	(pc) =	sbr.rel $0x88, $3  }
0x1: {  	(tag) =	ssettag $0x0;
	lr =	simm.s32 $0x1  }
0x2: {  	[smem:$0x3F9C] =	sst lr;
	_ =	strace $0xD0000000  }
0x3: {  	_ = 	snop  }
0x4: {  	_ = 	snop  }
0x5: {  	_ = 	snop  }
0x6: {  	_ = 	snop  }
0x7: {  	_ = 	snop  }
__scs_overlays_trampoline_lowered:
0x8: {  	[smem:$0x3FAB] =	sst s0  }
0x9: {  	[smem:$0x3FAC] =	sst s1  }
0xa: {  	[smem:$0x3FAD] =	sst s2  }
0xb: {  	[smem:$0x3FAE] =	sst s3  }
0xc: {  	[smem:$0x3FAF] =	sst s4  }
0xd: {  	[smem:$0x3FB0] =	sst s5  }
0xe: {  	[smem:$0x3FB1] =	sst s6  }
0xf: {  	[smem:$0x3FB2] =	sst s7  }
0x10: {  	[smem:$0x3FB3] =	sst s8  }
0x11: {  	[smem:$0x3FB4] =	sst s9;
	s0 =	simm.s32 @!p0 $0x0  }
0x12: {  	s1 =	sld [smem:$0x3F9A];
	s0 =	simm.s32 @p0 $0x1  }
0x13: {  	[smem:$0x3FB5] =	sst s0;
	s0 =	simm.s32 @!p1 $0x0  }
0x14: {  	s2 =	sld [smem:$0x3F99];
	s0 =	simm.s32 @p1 $0x1  }
0x15: {  	[smem:$0x3FB6] =	sst s0;
	s0 =	simm.s32 @!p2 $0x0  }
0x16: {  	s3 =	sld [smem:$0x3FDB];
	s0 =	simm.s32 @p2 $0x1  }
0x17: {  	s4 =	simm.s32 $0x1BF5;
	[smem:$0x3FB8] =	sst s0  }
0x18: {  	s0 =	sld [smem:$0x3F9B];
	_ =	swait.ge [sflag:s4], $0x0  }
0x19: {  	s7 =	sld [smem:$0x3F9C]  }
0x1a: {  	s8 =	sadd.s32 $0xFFFFE003, lr  }
0x1b: {  	s9 =	sadd.s32 $0xFFFFFEF7, lr;
	s5 =	simm.s32 $0xFFFFFFFF;
	p2 =	slt.u32 s8, $0xFFFFF086  }
0x1c: {  	p1 =	slt.u32 s9, $0xF7A;
	s5 =	simm.s32 @!p2 $0x0  }
0x1d: {  	s5 =	simm.s32 @p1 $0x1;
	p0 =	seq.s32 s7, s2  }
0x1e: {  	s7 =	smul.u32 @!p0 $0xF7A, s2;
	p2 =	seq.s32 @!p0 s5, $0x0  }
0x1f: {  	s9 =	smul.u32 $0xF7A, s1;
	s8 =	simm.s32 @!p0 $0x1BF5;
	p2 =	por !p2, p0  }
0x20: {  	[sflag:s8] =	ssyncset.s32 @!p0 $0xFFFFF086;
	s6 =	sadd.s32 @!p0 s3, s7;
	s7 =	simm.s32 @!p0 $0x108  }
0x21: {  	s3 =	sadd.s32 s3, s9;
	s6 =	sadd.s32 @!p0 $0x88, s6;
	s7 =	simm.s32 @p2 $0x1082  }
0x22: {  	[simem:s7], [sflag:s8] =	dma.local @!p0 [hbm:s6], $0xF7A  }
0x23: {  	s9 =	sor.u32 $0xD0000000, s2;
	s6 =	simm.s32 $0x108;
	_ =	swait.ge @!p0 [sflag:s8], $0x0  }
0x24: {  	s3 =	sadd.s32 $0x88, s3;
	s6 =	simm.s32 @!p1 $0x1082;
	[sflag:s4] =	ssyncset.s32 $0xFFFFF086  }
0x25: {  	[simem:s6], [sflag:s4] =	dma.local [hbm:s3], $0xF7A  }
0x26: {  	[smem:$0x3F9C] =	sst s1;
	(tag) =	ssettag s2;
	_ =	strace s9  }
0x27: {  	s1 =	sld [smem:$0x3FAC]  }
0x28: {  	s2 =	sld [smem:$0x3FAD]  }
0x29: {  	s4 =	sld [smem:$0x3FAF]  }
0x2a: {  	p0 =	seq.s32 s5, $0x0;
	s5 =	sld [smem:$0x3FB0]  }
0x2b: {  	s6 =	sld [smem:$0x3FB1]  }
0x2c: {  	s7 =	sld [smem:$0x3FB2]  }
0x2d: {  	s3 =	simm.s32 $0x108;
	s8 =	sld [smem:$0x3FB3]  }
0x2e: {  	s3 =	simm.s32 @!p0 $0x1082;
	s9 =	sld [smem:$0x3FB4]  }
0x2f: {  	lr =	sadd.s32 s0, s3;
	s0 =	sld [smem:$0x3FAB]  }
0x30: {  	s3 =	sld [smem:$0x3FAE]  }
0x31: {  	[smem:$0x3FB7] =	sst s10  }
0x32: {  	s10 =	sld [smem:$0x3FB5];
	_ =	sdelay $0x3  }
0x33: {  	p0 =	seq.s32 s10, $0x1;
	s10 =	sld [smem:$0x3FB7];
	_ =	sdelay $0x3  }
0x34: {  	[smem:$0x3FB7] =	sst s10  }
0x35: {  	s10 =	sld [smem:$0x3FB6];
	_ =	sdelay $0x3  }
0x36: {  	p1 =	seq.s32 s10, $0x1;
	s10 =	sld [smem:$0x3FB7];
	_ =	sdelay $0x3  }
0x37: {  	[smem:$0x3FB7] =	sst s10  }
0x38: {  	s10 =	sld [smem:$0x3FB8]  }
0x39: {  	_ = 	snop;
	(pc) =	sbr.ind lr, $3  }
0x3a: {  	_ = 	snop  }
0x3b: {  	_ = 	snop  }
0x3c: {  	p2 =	seq.s32 s10, $0x1;
	s10 =	sld [smem:$0x3FB7]  }
0x3d: {  	_ =	shalt  }
0x3e: {  	_ =	shalt  }
0x3f: {  	_ =	shalt  }
0x40: {  	_ =	shalt  }
0x41: {  	_ =	shalt  }
0x42: {  	_ =	shalt  }
0x43: {  	_ =	shalt  }
0x44: {  	_ =	shalt  }
0x45: {  	_ =	shalt  }
0x46: {  	_ =	shalt  }
0x47: {  	_ =	shalt  }
0x48: {  	_ =	shalt  }
0x49: {  	_ =	shalt  }
0x4a: {  	_ =	shalt  }
0x4b: {  	_ =	shalt  }
0x4c: {  	_ =	shalt  }
0x4d: {  	_ =	shalt  }
0x4e: {  	_ =	shalt  }
0x4f: {  	_ =	shalt  }
0x50: {  	_ =	shalt  }
0x51: {  	_ =	shalt  }
0x52: {  	_ =	shalt  }
0x53: {  	_ =	shalt  }
0x54: {  	_ =	shalt  }
0x55: {  	_ =	shalt  }
0x56: {  	_ =	shalt  }
0x57: {  	_ =	shalt  }
0x58: {  	_ =	shalt  }
0x59: {  	_ =	shalt  }
0x5a: {  	_ =	shalt  }
0x5b: {  	_ =	shalt  }
0x5c: {  	_ =	shalt  }
0x5d: {  	_ =	shalt  }
0x5e: {  	_ =	shalt  }
0x5f: {  	_ =	shalt  }
0x60: {  	_ =	shalt  }
0x61: {  	_ =	shalt  }
0x62: {  	_ =	shalt  }
0x63: {  	_ =	shalt  }
0x64: {  	_ =	shalt  }
0x65: {  	_ =	shalt  }
0x66: {  	_ =	shalt  }
0x67: {  	_ =	shalt  }
0x68: {  	_ =	shalt  }
0x69: {  	_ =	shalt  }
0x6a: {  	_ =	shalt  }
0x6b: {  	_ =	shalt  }
0x6c: {  	_ =	shalt  }
0x6d: {  	_ =	shalt  }
0x6e: {  	_ =	shalt  }
0x6f: {  	_ =	shalt  }
0x70: {  	_ =	shalt  }
0x71: {  	_ =	shalt  }
0x72: {  	_ =	shalt  }
0x73: {  	_ =	shalt  }
0x74: {  	_ =	shalt  }
0x75: {  	_ =	shalt  }
0x76: {  	_ =	shalt  }
0x77: {  	_ =	shalt  }
0x78: {  	_ =	shalt  }
0x79: {  	_ =	shalt  }
0x7a: {  	_ =	shalt  }
0x7b: {  	_ =	shalt  }
0x7c: {  	_ =	shalt  }
0x7d: {  	_ =	shalt  }
0x7e: {  	_ =	shalt  }
0x7f: {  	_ =	shalt  }
0x80: {  	_ =	shalt  }
0x81: {  	_ =	shalt  }
0x82: {  	_ =	shalt  }
0x83: {  	_ =	shalt  }
0x84: {  	_ =	shalt  }
0x85: {  	_ =	shalt  }
0x86: {  	_ =	shalt  }
0x87: {  	_ =	shalt  }
.Lfunc_end0:
.L_simem_size_0:
called_computation.1_lowered:
.L_overlay_start_0:
0x88: {  	s2 =	sld [smem:$0x3FD9]  }
0x89: {  	s3 =	sld [smem:$0x3FFE];
	_ =	sdelay $0x1  }
0x8a: {  	s1 =	srdreg.scid  }
0x8b: {  	s0 =	sand.u32 $0x1, s1  }
0x8c: {  	s14 =	sshll.u32 s0, $0xA;
	s2 =	sadd.s32 s3, s2  }
0x8d: {  	s2 =	sadd.s32 s2, s14  }
0x8e: {  	[smem:$0x3FC3] =	sst s2  }
0x8f: {  	_ = 	snop  }
0x90: {  	s2 =	sld [smem:$0x3FD0];
	_ =	sdelay $0x2  }
0x91: {  	s15 =	simm.s32 $0xA;
	s4 =	simm.s32 $0x10  }
0x92: {  	[smem:s4], [sflag:s15] =	dma.local [hbm:s2], $0x1  }
0x93: {  	_ =	swait.eq [sflag:s15], $0x1  }
0x94: {  	[sflag:s15] =	ssyncset.done $0x0  }
0x95: {  	[sflag:s15] =	ssyncadd.s32 $0xFFFFFFFF  }
0x96: {  	s16 =	sld [smem:$0x11];
	(tm) =	ssettm $0x1  }
0x97: {  	s17 =	sld [smem:$0x3FFB];
	_ =	sdelay $0x3  }
0x98: {  	_ =	strace s17  }
0x99: {  	s3 =	sld [smem:$0x3FFC];
	_ =	sdelay $0x3  }
0x9a: {  	_ =	strace s3  }
0x9b: {  	s3 =	sld [smem:$0x3FFD];
	_ =	sdelay $0x3  }
0x9c: {  	_ =	strace s3  }
0x9d: {  	_ =	strace $0x8FFFFFFF  }
0x9e: {  	s18 =	sld [smem:$0x3FDB];
	_ =	sdelay $0x1  }
0x9f: {  	s19 =	simm.s32 $_scs_section_size  }
0xa0: {  	s5 =	simm.s32 $_size__tile_overlayer_lowered;
	s6 =	simm.s32 $_tile_overlayer_lowered  }
0xa1: {  	s22 =	simm.s32 $0x1BFF;
	s21 =	sshll.u32 s6, $0x1;
	s3 =	sadd.s32 s19, s18  }
0xa2: {  	s7 =	simm.s32 $0x0;
	s20 =	sshll.u32 s5, $0x1;
	s5 =	sadd.s32 s21, s3  }
0xa3: {  	[timem:s7], [sflag:s22] =	dma.local [hbm:s5], s20  }
0xa4: {  	_ =	swait.ge [sflag:s22], s20  }
0xa5: {  	s4 =	ssub.s32 $0x0, s20;
	[sflag:s22] =	ssyncset.done $0x0  }
0xa6: {  	[sflag:s22] =	ssyncadd.s32 s4;
	_ =	sdelay $0x1  }
0xa7: {  	s23 =	simm.s32 $0x1B8B  }
0xa8: {  	_ =	swait.ge [sflag:s23], $0x1  }
0xa9: {  	[sflag:s23] =	ssyncset.done $0x0  }
0xaa: {  	s25 =	simm.s32 $0x1B8E;
	s24 =	sld [smem:$0x3FFE];
	[sflag:s23] =	ssyncadd.s32 $0xFFFFFFFF  }
0xab: {  	s26 =	simm.s32 $execute0_lowered;
	[smem:$0x3FD2] =	sst s25  }
0xac: {  	s5 =	sshll.u32 s26, $0x1;
	_ =	strace $0x80000049;
	[dreg:$0x1] =	wrdreg $0xFFFFFFFF  }
0xad: {  	s28 =	simm.s32 $_size_execute0_lowered;
	s3 =	sadd.s32 s3, s5;
	[dreg:$0x0] =	wrdreg $0x0  }
0xae: {  	s5 =	sshll.u32 s28, $0x1;
	[dreg:$0x2] =	wrdreg s3  }
0xaf: {  	[dreg:$0x3] =	wrdreg s5  }
0xb0: {  	[dreg:$0x4] =	wrdreg $0xC0  }
0xb1: {  	_ =	task [dreg:s7], $0x5FFFF  }
0xb2: {  	[dreg:$0x1] =	wrdreg $0xFFFFFFFF  }
0xb3: {  	[dreg:$0x0] =	wrdreg $0x60  }
0xb4: {  	[dreg:$0x2] =	wrdreg s24  }
0xb5: {  	[dreg:$0x3] =	wrdreg s16  }
0xb6: {  	[dreg:$0x4] =	wrdreg $0x9  }
0xb7: {  	_ =	task.clear_ibuf [dreg:s7], $0x5FFFF;
	_ =	strace $0x90000049  }
0xb8: {  	s29 =	simm.s32 $0x9;
	_ =	strace $0x8000004B  }
0xb9: {  	_ =	swait.ge [sflag:s29], $0x1  }
0xba: {  	[sflag:s29] =	ssyncadd.s32 $0xFFFFFFFF  }
0xbb: {  	_ =	strace $0x9000004B  }
0xbc: {  	_ =	sfence  }
0xbd: {  	s30 =	sld [smem:$0x0];
	_ =	sdelay $0x2  }
0xbe: {  	s31 =	sshll.u32 s1, $0xD;
	s1 =	sshrl.u32 s1, $0x2  }
0xbf: {  	s3 =	sand.u32 $0x4000, s31;
	s1 =	sadd.s32 s1, s30  }
0xc0: {  	s0 =	sor.u32 s3, s0;
	s1 =	sshll.u32 s1, $0x11  }
0xc1: {  	s0 =	sor.u32 s1, s0  }
0xc2: {  	s0 =	sadd.s32 $0x8F2B, s0  }
0xc3: {  	[sflag:s0] =	ssyncadd.remote.s32 $0x1  }
0xc4: {  	_ =	sfence.sel $0xFFFF  }
0xc5: {  	[dreg:$0x0] =	wrdreg $0xFFFFFFFF;
	(pc) =	sbr.abs _section_cstart, $3  }
0xc6: {  	[dreg:$0x1] =	wrdreg $0xFFFFFFFF  }
0xc7: {  	_ =	task.clear_ibuf [dreg:s7], $0x2FFFF;
	_ =	strace $0x9FFFFFFF  }
0xc8: {  	(tm) =	ssettm $0x7FFFFFFF  }
0xc9: {  	_ =	shalt  }
tec
execute0_lowered:
.L_overlay_start_1:
0x0: {  	(tag) =	ssettag $0x1  }
0x1: {  	s3 =	rddreg [dreg:$0x0]  }
0x2: {  	s4 =	rddreg [dreg:$0x1]  }
0x3: {  	s0 =	rddreg [dreg:$0x2];
	s5 =	srdreg.scid  }
0x4: {  	s1 =	stileid.u32;
	s2 =	simm.s32 $0x0;
	s9 =	simm.s32 $0x2  }
0x5: {  	s10 =	simm.s32 $0x100;
	s11 =	simm.s32 $0x900;
	s12 =	simm.s32 $0x1100  }
0x6: {  	s13 =	simm.s32 $0x1900;
	s14 =	simm.s32 $0x2100;
	s15 =	simm.s32 $0x2900  }
0x7: {  	s16 =	simm.s32 $0x3100;
	s17 =	simm.s32 $0x3900;
	s18 =	simm.s32 $0x1  }
0x8: {  	s19 =	simm.s32 $0x80;
	s5 =	sand.u32 $0x1, s5;
	s6 =	sshll.u32 s1, $0x1  }
0x9: {  	[smem:$0x7FF] =	sst s2;
	s6 =	sor.u32 s5, s6;
	s5 =	ssub.s32 $0x2, s5  }
0xa: {  	_ =	strace $0x8000004A;
	s7 =	sshll.u32 s6, $0x5;
	s8 =	sshrl.u32 s5, $0x1  }
0xb: {  	v2 =	vlaneseq.u32;
	s6 =	sshll.u32 s6, $0xC;
	s7 =	sadd.s32 s7, s3;
	s3 =	sadd.s32 $0x1400, s3  }
0xc: {  	vm0 =	vmmov $0xffff;
	v1 =	vshrl.u32 v2, $0x3;
	s8 =	ssub.s32 s5, s8;
	s4 =	sadd.s32 s4, s6;
	s5 =	sadd.s32 $0x1000, s7  }
0xd: {  	v0 =	vand.u32 $0x7, v2;
	v2 =	vor.u32 $0x8, v2;
	v1 =	vmul.u32 $0x8, v1;
	s6 =	sadd.s32 $0x1010, s7;
	s7 =	sadd.s32 $0x800, s4;
	s8 =	smax.u32 s8, $0x1  }
.LBB2_1:
0xe: {  	[tilespmem:s2], [sflag:$0x2] =	stream.linear.gather [hbm4b:s5+s2], $0x80, $0x38;
	[tilespmem:$0x4100] =	vst v63  }
0xf: {  	_ =	swait.ge [sflag:s9], $0x80  }
0x10: {  	[sflag:s9] =	ssyncset.done $0x0  }
0x11: {  	[sflag:s9] =	ssyncadd.s32 $0xFFFFFF80  }
0x12: {  	v3 =	vld [tilespmem:$0x0];
	_ =	sdelay $0x4  }
0x13: {  	v4 =	vshll.u32 v3, $0x1  }
0x14: {  	v3 =	vand.u32 $0x7, v3;
	v4 =	vand.u32 $0xFFFFFFF0, v4  }
0x15: {  	v3 =	vor.u32 v3, v4  }
0x16: {  	v4 =	vperm.xlane v3, v0;
	_ =	sdelay $0x1  }
0x17: {  	v3 =	vperm.xlane v3, v2;
	v4 =	vadd.s32 v1, v4;
	_ =	sdelay $0x1  }
0x18: {  	v3 =	vadd.s32 v1, v3;
	_ =	sdelay $0x2  }
0x19: {  	[tilespmem:s10], [sflag:$0x1] =	stream.indirect_vreg.gather [hbm4b:s3+s2], $0x80, v4, vm0, $0xb8;
	[tilespmem:$0x4100] =	vst v63  }
0x1a: {  	_ = 	snop  }
0x1b: {  	[tilespmem:s11], [sflag:$0x1] =	stream.indirect_vreg.gather [hbm4b:s3+s2], $0x80, v3, vm0, $0xb8;
	[tilespmem:$0x4100] =	vst v63  }
0x1c: {  	v3 =	vld [tilespmem:$0x10];
	_ =	sdelay $0x4  }
0x1d: {  	v57 =	vshll.u32 v3, $0x1  }
0x1e: {  	v3 =	vand.u32 $0x7, v3;
	v4 =	vand.u32 $0xFFFFFFF0, v57  }
0x1f: {  	v3 =	vor.u32 v3, v4  }
0x20: {  	v4 =	vperm.xlane v3, v0;
	_ =	sdelay $0x1  }
0x21: {  	v3 =	vperm.xlane v3, v2;
	v4 =	vadd.s32 v1, v4;
	_ =	sdelay $0x1  }
0x22: {  	v3 =	vadd.s32 v1, v3;
	_ =	sdelay $0x2  }
0x23: {  	[tilespmem:s12], [sflag:$0x1] =	stream.indirect_vreg.gather [hbm4b:s3+s2], $0x80, v4, vm0, $0xb8;
	[tilespmem:$0x4100] =	vst v63  }
0x24: {  	_ = 	snop  }
0x25: {  	[tilespmem:s13], [sflag:$0x1] =	stream.indirect_vreg.gather [hbm4b:s3+s2], $0x80, v3, vm0, $0xb8;
	[tilespmem:$0x4100] =	vst v63  }
0x26: {  	v3 =	vld [tilespmem:$0x20];
	_ =	sdelay $0x4  }
0x27: {  	v58 =	vshll.u32 v3, $0x1  }
0x28: {  	v3 =	vand.u32 $0x7, v3;
	v4 =	vand.u32 $0xFFFFFFF0, v58  }
0x29: {  	v3 =	vor.u32 v3, v4  }
0x2a: {  	v4 =	vperm.xlane v3, v0;
	_ =	sdelay $0x1  }
0x2b: {  	v3 =	vperm.xlane v3, v2;
	v4 =	vadd.s32 v1, v4;
	_ =	sdelay $0x1  }
0x2c: {  	v3 =	vadd.s32 v1, v3;
	_ =	sdelay $0x2  }
0x2d: {  	[tilespmem:s14], [sflag:$0x1] =	stream.indirect_vreg.gather [hbm4b:s3+s2], $0x80, v4, vm0, $0xb8;
	[tilespmem:$0x4100] =	vst v63  }
0x2e: {  	_ = 	snop  }
0x2f: {  	[tilespmem:s15], [sflag:$0x1] =	stream.indirect_vreg.gather [hbm4b:s3+s2], $0x80, v3, vm0, $0xb8;
	[tilespmem:$0x4100] =	vst v63  }
0x30: {  	v3 =	vld [tilespmem:$0x30];
	_ =	sdelay $0x4  }
0x31: {  	v59 =	vshll.u32 v3, $0x1  }
0x32: {  	v3 =	vand.u32 $0x7, v3;
	v4 =	vand.u32 $0xFFFFFFF0, v59  }
0x33: {  	v3 =	vor.u32 v3, v4  }
0x34: {  	v4 =	vperm.xlane v3, v0;
	_ =	sdelay $0x1  }
0x35: {  	v3 =	vperm.xlane v3, v2;
	v4 =	vadd.s32 v1, v4;
	_ =	sdelay $0x1  }
0x36: {  	v3 =	vadd.s32 v1, v3;
	_ =	sdelay $0x2  }
0x37: {  	[tilespmem:s16], [sflag:$0x1] =	stream.indirect_vreg.gather [hbm4b:s3+s2], $0x80, v4, vm0, $0xb8;
	[tilespmem:$0x4100] =	vst v63  }
0x38: {  	_ = 	snop  }
0x39: {  	[tilespmem:s17], [sflag:$0x1] =	stream.indirect_vreg.gather [hbm4b:s3+s2], $0x80, v3, vm0, $0xb8;
	[tilespmem:$0x4100] =	vst v63  }
0x3a: {  	_ =	swait.ge [sflag:s18], $0x4000  }
0x3b: {  	[sflag:s18] =	ssyncset.done $0x0  }
0x3c: {  	[sflag:s18] =	ssyncadd.s32 $0xFFFFC000  }
0x3d: {  	[hbm4b:s4+s2] =	stream.linear.scatter [tilespmem:s10], [sflag:$0x2], $0x4000, $0x38;
	[tilespmem:$0x4100] =	vst v63  }
0x3e: {  	_ =	swait.ge [sflag:s9], $0x4000  }
0x3f: {  	[sflag:s9] =	ssyncset.done $0x0  }
0x40: {  	[sflag:s9] =	ssyncadd.s32 $0xFFFFC000  }
0x41: {  	[tilespmem:s19], [sflag:$0x2] =	stream.linear.gather [hbm4b:s6+s2], $0x80, $0x38;
	[tilespmem:$0x4100] =	vst v63  }
0x42: {  	_ =	swait.ge [sflag:s9], $0x80  }
0x43: {  	[sflag:s9] =	ssyncset.done $0x0  }
0x44: {  	[sflag:s9] =	ssyncadd.s32 $0xFFFFFF80  }
0x45: {  	v3 =	vld [tilespmem:$0x80];
	_ =	sdelay $0x4  }
0x46: {  	v60 =	vshll.u32 v3, $0x1  }
0x47: {  	v3 =	vand.u32 $0x7, v3;
	v4 =	vand.u32 $0xFFFFFFF0, v60  }
0x48: {  	v3 =	vor.u32 v3, v4  }
0x49: {  	v4 =	vperm.xlane v3, v0;
	_ =	sdelay $0x1  }
0x4a: {  	v3 =	vperm.xlane v3, v2;
	v4 =	vadd.s32 v1, v4;
	_ =	sdelay $0x1  }
0x4b: {  	v3 =	vadd.s32 v1, v3;
	_ =	sdelay $0x2  }
0x4c: {  	[tilespmem:s10], [sflag:$0x1] =	stream.indirect_vreg.gather [hbm4b:s3+s2], $0x80, v4, vm0, $0xb8;
	[tilespmem:$0x4100] =	vst v63  }
0x4d: {  	_ = 	snop  }
0x4e: {  	[tilespmem:s11], [sflag:$0x1] =	stream.indirect_vreg.gather [hbm4b:s3+s2], $0x80, v3, vm0, $0xb8;
	[tilespmem:$0x4100] =	vst v63  }
0x4f: {  	v3 =	vld [tilespmem:$0x90];
	_ =	sdelay $0x4  }
0x50: {  	v61 =	vshll.u32 v3, $0x1  }
0x51: {  	v3 =	vand.u32 $0x7, v3;
	v4 =	vand.u32 $0xFFFFFFF0, v61  }
0x52: {  	v3 =	vor.u32 v3, v4  }
0x53: {  	v4 =	vperm.xlane v3, v0;
	_ =	sdelay $0x1  }
0x54: {  	v3 =	vperm.xlane v3, v2;
	v4 =	vadd.s32 v1, v4;
	_ =	sdelay $0x1  }
0x55: {  	v3 =	vadd.s32 v1, v3;
	_ =	sdelay $0x2  }
0x56: {  	[tilespmem:s12], [sflag:$0x1] =	stream.indirect_vreg.gather [hbm4b:s3+s2], $0x80, v4, vm0, $0xb8;
	[tilespmem:$0x4100] =	vst v63  }
0x57: {  	_ = 	snop  }
0x58: {  	[tilespmem:s13], [sflag:$0x1] =	stream.indirect_vreg.gather [hbm4b:s3+s2], $0x80, v3, vm0, $0xb8;
	[tilespmem:$0x4100] =	vst v63  }
0x59: {  	v3 =	vld [tilespmem:$0xA0];
	_ =	sdelay $0x4  }
0x5a: {  	v62 =	vshll.u32 v3, $0x1  }
0x5b: {  	v3 =	vand.u32 $0x7, v3;
	v4 =	vand.u32 $0xFFFFFFF0, v62  }
0x5c: {  	v3 =	vor.u32 v3, v4  }
0x5d: {  	v4 =	vperm.xlane v3, v0;
	_ =	sdelay $0x1  }
0x5e: {  	v3 =	vperm.xlane v3, v2;
	v4 =	vadd.s32 v1, v4;
	_ =	sdelay $0x1  }
0x5f: {  	v3 =	vadd.s32 v1, v3;
	_ =	sdelay $0x2  }
0x60: {  	[tilespmem:s14], [sflag:$0x1] =	stream.indirect_vreg.gather [hbm4b:s3+s2], $0x80, v4, vm0, $0xb8;
	[tilespmem:$0x4100] =	vst v63  }
0x61: {  	_ = 	snop  }
0x62: {  	[tilespmem:s15], [sflag:$0x1] =	stream.indirect_vreg.gather [hbm4b:s3+s2], $0x80, v3, vm0, $0xb8;
	[tilespmem:$0x4100] =	vst v63  }
0x63: {  	v3 =	vld [tilespmem:$0xB0];
	_ =	sdelay $0x4  }
0x64: {  	v63 =	vshll.u32 v3, $0x1  }
0x65: {  	v3 =	vand.u32 $0x7, v3;
	v4 =	vand.u32 $0xFFFFFFF0, v63  }
0x66: {  	v3 =	vor.u32 v3, v4  }
0x67: {  	v4 =	vperm.xlane v3, v0;
	_ =	sdelay $0x1  }
0x68: {  	v3 =	vperm.xlane v3, v2;
	v4 =	vadd.s32 v1, v4;
	_ =	sdelay $0x1  }
0x69: {  	v3 =	vadd.s32 v1, v3;
	_ =	sdelay $0x2  }
0x6a: {  	[tilespmem:s16], [sflag:$0x1] =	stream.indirect_vreg.gather [hbm4b:s3+s2], $0x80, v4, vm0, $0xb8;
	[tilespmem:$0x4100] =	vst v63  }
0x6b: {  	_ = 	snop  }
0x6c: {  	[tilespmem:s17], [sflag:$0x1] =	stream.indirect_vreg.gather [hbm4b:s3+s2], $0x80, v3, vm0, $0xb8;
	[tilespmem:$0x4100] =	vst v63  }
0x6d: {  	_ =	swait.ge [sflag:s18], $0x4000  }
0x6e: {  	p0 =	sne.s32 s8, $0x1;
	[sflag:s18] =	ssyncset.done $0x0  }
.Ltmp0:
0x6f: {  	[sflag:s18] =	ssyncadd.s32 $0xFFFFC000;
	(pc) =	sbr.rel @p0 .LBB2_1-.Ltmp0, $4  }
0x70: {  	[hbm4b:s7+s2] =	stream.linear.scatter [tilespmem:s10], [sflag:$0x2], $0x4000, $0x38;
	[tilespmem:$0x4100] =	vst v63  }
0x71: {  	_ =	swait.ge [sflag:s9], $0x4000  }
0x72: {  	[sflag:s9] =	ssyncset.done $0x0  }
0x73: {  	s8 =	sadd.s32 $0xFFFFFFFF, s8;
	[sflag:s9] =	ssyncadd.s32 $0xFFFFC000  }
0x74: {  	_ =	sfence.sel $0x180000  }
0x75: {  	[bflag:$0x0] =	sbarrier.arrive $0xFFFF  }
0x76: {  	p0 =	sne.s32 s1, $0x0;
	_ =	strace $0x9000004A  }
0x77: {  	s0 =	sadd.s32 @!p0 $0x100000, s0;
	[bflag:$0x2] =	sbarrier.arrive $0xFFFF  }
0x78: {  	[sflag:s0] =	ssyncadd.tile.s32 @!p0 $0x1;
	_ =	shalt  }
.Lfunc_end2:
_tile_overlayer_lowered:
.L_overlay_start_2:
0x79: {  	(tag) =	ssettag $0x2  }
0x7a: {  	s0 =	rddreg [dreg:$0x0];
	s2 =	stileid.u32  }
0x7b: {  	s1 =	rddreg [dreg:$0x1];
	p0 =	sne.s32 s2, $0x0  }
0x7c: {  	s3 =	rddreg [dreg:$0x2];
	[bflag:$0x3] =	sbarrier.arrive $0xFFFF;
	s2 =	simm.s32 @!p0 $0x1C02  }
0x7d: {  	[timem:s3], [sflag:s2] =	dma.local @!p0 [hbm:s0], s1  }
0x7e: {  	s0 =	simm.s32 @!p0 $0x2  }
0x7f: {  	_ =	swait.ge @!p0 [sflag:s0], s1  }
0x80: {  	s1 =	ssub.s32 @!p0 $0x0, s1;
	[sflag:s0] =	ssyncset.done @!p0 $0x0  }
0x81: {  	[sflag:s0] =	ssyncadd.s32 @!p0 s1  }
0x82: {  	[bflag:$0x3] =	sbarrier.arrive $0xFFFF  }
0x83: {  	_ =	shalt  }

</sc_bundles>
